<compile_context>
chip_gen: v7x
topology: tpu7x:2x2x1
jax: 0.10.2.dev20260603
libtpu: 0.0.44.dev20260713+nightly
codegen_flags: <defaults>
</compile_context>

<pallas_src>
import functools
import jax
import jax.numpy as jnp
from jax import lax
from jax.experimental import pallas as pl
from jax.experimental.pallas import tpu as pltpu
from jax.experimental.pallas import tpu_sc as plsc

N_NODES = 10000
CH = 128
NC, NS = 2, 16
NW = NC * NS
EB = 128
N_PAD = 10240
ROW_BLK = 2048
GRID = N_PAD // ROW_BLK


def _sc_body(*refs, blocks_per_w, with_cnt):
    if with_cnt:
        (y_hbm, src_hbm, dst_hbm, zacc_hbm, zcnt_hbm, acc_out, cnt_out,
         src_v, dst_v, rows_v, ones_v, acc_sh, cnt_sh, sem) = refs
    else:
        (y_hbm, src_hbm, dst_hbm, zacc_hbm, acc_out,
         src_v, dst_v, rows_v, acc_sh, sem) = refs
    c = lax.axis_index("c")
    s = lax.axis_index("s")
    wid = c * NS + s

    zrows = N_PAD // NS
    pltpu.sync_copy(zacc_hbm.at[pl.ds(s * zrows, zrows)],
                    acc_sh.at[pl.ds(s * zrows, zrows)])
    if with_cnt:
        pltpu.sync_copy(zcnt_hbm.at[pl.ds(s * zrows, zrows)],
                        cnt_sh.at[pl.ds(s * zrows, zrows)])
        for i in range(EB // 16):
            ones_v[pl.ds(i * 16, 16)] = jnp.ones((16,), jnp.float32)
    plsc.subcore_barrier()

    def body(j, carry):
        base = pl.multiple_of((wid * blocks_per_w + j) * EB, EB)
        pltpu.sync_copy(src_hbm.at[pl.ds(base, EB)], src_v)
        pltpu.sync_copy(dst_hbm.at[pl.ds(base, EB)], dst_v)
        pltpu.async_copy(y_hbm.at[src_v], rows_v, sem).wait()
        pltpu.sync_copy(rows_v, acc_sh.at[dst_v], add=True)
        if with_cnt:
            pltpu.sync_copy(ones_v, cnt_sh.at[dst_v], add=True)
        return carry

    lax.fori_loop(0, blocks_per_w, body, 0)
    plsc.subcore_barrier()

    pltpu.sync_copy(acc_sh.at[pl.ds(s * zrows, zrows)],
                    acc_out.at[c, pl.ds(s * zrows, zrows)])
    if with_cnt:
        pltpu.sync_copy(cnt_sh.at[pl.ds(s * zrows, zrows)],
                        cnt_out.at[c, pl.ds(s * zrows, zrows)])


def _make_sc_agg(blocks_per_w, with_cnt):
    mesh = plsc.VectorSubcoreMesh(core_axis_name="c", subcore_axis_name="s")
    out_type = [jax.ShapeDtypeStruct((NC, N_PAD, CH), jnp.float32)]
    scratch = [
        pltpu.VMEM((EB,), jnp.int32),
        pltpu.VMEM((EB,), jnp.int32),
        pltpu.VMEM((EB, CH), jnp.float32),
    ]
    if with_cnt:
        out_type.append(jax.ShapeDtypeStruct((NC, N_PAD), jnp.float32))
        scratch.append(pltpu.VMEM((EB,), jnp.float32))
    scratch.append(pltpu.VMEM_SHARED((N_PAD, CH), jnp.float32))
    if with_cnt:
        scratch.append(pltpu.VMEM_SHARED((N_PAD,), jnp.float32))
    scratch.append(pltpu.SemaphoreType.DMA)
    return pl.kernel(
        functools.partial(_sc_body, blocks_per_w=blocks_per_w,
                          with_cnt=with_cnt),
        out_type=out_type,
        mesh=mesh,
        scratch_types=scratch,
        name="sc_segment_sum_cnt" if with_cnt else "sc_segment_sum",
    )


def _dotT(a, w):
    return lax.dot_general(a, w, (((1,), (1,)), ((), ())),
                           preferred_element_type=jnp.float32)


def _tc_first_body(x_ref, wl_ref, wr_ref, bl_ref, y_ref, r_ref):
    x = x_ref[...]
    y_ref[...] = _dotT(x, wl_ref[...])
    r_ref[...] = _dotT(x, wr_ref[...]) + bl_ref[...]


def _tc_mid_body(acc_ref, cnt_ref, rp_ref, wl_ref, wr_ref, bl_ref,
                 y_ref, r_ref):
    a = acc_ref[0] + acc_ref[1]
    cnt = cnt_ref[0] + cnt_ref[1]
    recip = 1.0 / jnp.maximum(cnt, 1.0)
    h = jnp.maximum(a * recip + rp_ref[...], 0.0)
    y_ref[...] = _dotT(h, wl_ref[...])
    r_ref[...] = _dotT(h, wr_ref[...]) + bl_ref[...]


def _tc_last_body(acc_ref, cnt_ref, rp_ref, out_ref):
    a = acc_ref[0] + acc_ref[1]
    cnt = cnt_ref[0] + cnt_ref[1]
    recip = 1.0 / jnp.maximum(cnt, 1.0)
    out_ref[...] = jax.nn.sigmoid(a * recip + rp_ref[...])


_row_spec = pl.BlockSpec((ROW_BLK, CH), lambda i: (i, 0))
_acc_spec = pl.BlockSpec((NC, ROW_BLK, CH), lambda i: (0, i, 0))
_cnt_spec = pl.BlockSpec((NC, ROW_BLK, 1), lambda i: (0, i, 0))
_w_spec = pl.BlockSpec((CH, CH), lambda i: (0, 0))
_b_spec = pl.BlockSpec((1, CH), lambda i: (0, 0))
_f32 = lambda shape: jax.ShapeDtypeStruct(shape, jnp.float32)

_tc_first = pl.pallas_call(
    _tc_first_body, grid=(GRID,),
    in_specs=[_row_spec, _w_spec, _w_spec, _b_spec],
    out_specs=[_row_spec, _row_spec],
    out_shape=[_f32((N_PAD, CH)), _f32((N_PAD, CH))],
)

_tc_mid = pl.pallas_call(
    _tc_mid_body, grid=(GRID,),
    in_specs=[_acc_spec, _cnt_spec, _row_spec, _w_spec, _w_spec, _b_spec],
    out_specs=[_row_spec, _row_spec],
    out_shape=[_f32((N_PAD, CH)), _f32((N_PAD, CH))],
)

OUT_BLK = 2000

_tc_last = pl.pallas_call(
    _tc_last_body, grid=(N_NODES // OUT_BLK,),
    in_specs=[pl.BlockSpec((NC, OUT_BLK, CH), lambda i: (0, i, 0)),
              pl.BlockSpec((NC, OUT_BLK, 1), lambda i: (0, i, 0)),
              pl.BlockSpec((OUT_BLK, CH), lambda i: (i, 0))],
    out_specs=pl.BlockSpec((OUT_BLK, CH), lambda i: (i, 0)),
    out_shape=_f32((N_NODES, CH)),
)


def kernel(x, edge_index, Wl0, bl0, Wr0, Wl1, bl1, Wr1, Wl2, bl2, Wr2):
    src = edge_index[0].astype(jnp.int32)
    dst = edge_index[1].astype(jnp.int32)
    n_edges = src.shape[0]
    bpw = -(-n_edges // (NW * EB))
    e_pad = NW * bpw * EB
    src_p = jnp.concatenate(
        [src, jnp.zeros((e_pad - n_edges,), jnp.int32)])
    dst_p = jnp.concatenate(
        [dst, jnp.full((e_pad - n_edges,), N_NODES, jnp.int32)])
    x_p = jnp.pad(x, ((0, N_PAD - N_NODES), (0, 0)))
    zacc = jnp.zeros((N_PAD, CH), jnp.float32)
    zcnt = jnp.zeros((N_PAD,), jnp.float32)

    sc_agg_cnt = _make_sc_agg(bpw, True)
    sc_agg = _make_sc_agg(bpw, False)

    y0, r0 = _tc_first(x_p, Wl0, Wr0, bl0.reshape(1, CH))
    acc0, cnt = sc_agg_cnt(y0, src_p, dst_p, zacc, zcnt)
    cnt3 = cnt.reshape(NC, N_PAD, 1)
    y1, r1 = _tc_mid(acc0, cnt3, r0, Wl1, Wr1, bl1.reshape(1, CH))
    (acc1,) = sc_agg(y1, src_p, dst_p, zacc)
    y2, r2 = _tc_mid(acc1, cnt3, r1, Wl2, Wr2, bl2.reshape(1, CH))
    (acc2,) = sc_agg(y2, src_p, dst_p, zacc)
    return _tc_last(acc2, cnt3, r2)

# --- scband reference (transcript-rebuilt; emitter-appended) ---
"""Pipeline reference for scband-gnnmodel-4037269258457 (READ-ONLY COPY).

The authoritative reference and input builder live on the scoring server;
editing this copy changes nothing except your own understanding.
"""

import jax, jax.numpy as jnp
import numpy as np

N_NODES = 10000
N_EDGES = 320000
IN_CH = 128
HID_CH = 128
OUT_CH = 128


def _glorot(key, shape):
    fan_in, fan_out = shape[1], shape[0]
    limit = jnp.sqrt(6.0 / (fan_in + fan_out))
    return jax.random.uniform(key, shape, minval=-limit, maxval=limit, dtype=jnp.float32)


def setup_inputs(seed: int = 0) -> dict:
    key = jax.random.key(seed)
    ks = jax.random.split(key, 12)
    x = jax.random.normal(ks[0], (N_NODES, IN_CH), dtype=jnp.float32)
    edge_index = jax.random.randint(ks[1], (2, N_EDGES), 0, N_NODES, dtype=jnp.int64)
    # SAGEConv params per layer: lin_l (neighbor aggregation path, with bias), lin_r (root path, no bias)
    dims = [(HID_CH, IN_CH), (HID_CH, HID_CH), (OUT_CH, HID_CH)]
    inp = {"x": x, "edge_index": edge_index}
    for i, (do, di) in enumerate(dims):
        inp[f"Wl{i}"] = _glorot(ks[2 + 3 * i], (do, di))
        inp[f"bl{i}"] = jnp.zeros((do,), dtype=jnp.float32)
        inp[f"Wr{i}"] = _glorot(ks[3 + 3 * i], (do, di))
    return inp


def _sage_conv(x, src, dst, Wl, bl, Wr, n_nodes):
    # mean aggregation of neighbor (src) features into dst nodes
    msgs = jnp.take(x, src, axis=0)
    agg = jax.ops.segment_sum(msgs, dst, num_segments=n_nodes)
    cnt = jax.ops.segment_sum(jnp.ones((src.shape[0],), dtype=x.dtype), dst, num_segments=n_nodes)
    agg = agg / jnp.clip(cnt, 1.0, None)[:, None]
    return agg @ Wl.T + bl + x @ Wr.T


def reference(x, edge_index, Wl0, bl0, Wr0, Wl1, bl1, Wr1, Wl2, bl2, Wr2):
    src = edge_index[0]
    dst = edge_index[1]
    params = [(Wl0, bl0, Wr0), (Wl1, bl1, Wr1), (Wl2, bl2, Wr2)]
    h = x
    for i, (Wl, bl, Wr) in enumerate(params):
        h = _sage_conv(h, src, dst, Wl, bl, Wr, N_NODES)
        if i != len(params) - 1:
            h = jax.nn.relu(h)
            # dropout p=0.2 is identity at eval time
    return jax.nn.sigmoid(h)

if __name__ == "__main__":
    import jax
    _d = setup_inputs()
    print(jax.jit(kernel)(*tuple(_d.values())))

</pallas_src>

<mosaic_0001>
#map = affine_map<(d0, d1) -> (0, 0)>
#map1 = affine_map<(d0, d1) -> (0)>
#map2 = affine_map<(d0, d1) -> (0, 0, 0)>
module attributes {stable_mosaic.version = 14 : i64} {
  func.func @sc_segment_sum_cnt(%arg0: i32, %arg1: i32, %arg2: memref<10240x128xf32, #tpu.memory_space<hbm>>, %arg3: memref<323584xi32, #tpu.memory_space<hbm>>, %arg4: memref<323584xi32, #tpu.memory_space<hbm>>, %arg5: memref<10240x128xf32, #tpu.memory_space<hbm>>, %arg6: memref<10240xf32, #tpu.memory_space<hbm>>, %arg7: memref<2x10240x128xf32, #tpu.memory_space<hbm>>, %arg8: memref<2x10240xf32, #tpu.memory_space<hbm>>, %arg9: memref<128xi32, #tpu.memory_space<vmem>>, %arg10: memref<128xi32, #tpu.memory_space<vmem>>, %arg11: memref<128x128xf32, #tpu.memory_space<vmem>>, %arg12: memref<128xf32, #tpu.memory_space<vmem>>, %arg13: memref<10240x128xf32, #tpu.memory_space<vmem_shared>>, %arg14: memref<10240xf32, #tpu.memory_space<vmem_shared>>, %arg15: memref<!tpu.dma_semaphore, #tpu.memory_space<semaphore_mem>>) attributes {dimension_semantics = [#tpu.dimension_semantics<core_parallel>, #tpu.dimension_semantics<subcore_parallel>], iteration_bounds = array<i64: 2, 16>, scalar_prefetch = 0 : i64, scratch_operands = 7 : i64, tpu.core_type = #tpu.core_type<sc_vector_subcore>, window_params = [{transform_indices = #map}, {transform_indices = #map1}, {transform_indices = #map1}, {transform_indices = #map}, {transform_indices = #map1}, {transform_indices = #map2}, {transform_indices = #map}]} {
    %mul3A = arith.constant 16 : i32
    %mul3A_0 = arith.muli %arg0, %mul3A : i32
    %add3A = arith.addi %mul3A_0, %arg1 : i32
    %mul3A_1 = arith.constant 640 : i32
    %mul3A_2 = arith.muli %arg1, %mul3A_1 : i32
    %mul3A_3 = arith.constant 640 : i32
    %mul3A_4 = arith.muli %arg1, %mul3A_3 : i32
    "tpu.region"() ({
      %run_scoped3A = tpu.sem_alloc : memref<!tpu.dma_semaphore, #tpu.memory_space<semaphore_mem>>
      %dma_start3A = arith.constant 0 : i32
      %dma_start3A_69 = tpu.memref_slice %arg13[%mul3A_4, %dma_start3A] : memref<10240x128xf32, #tpu.memory_space<vmem_shared>> -> memref<640x128xf32, #tpu.memory_space<vmem_shared>>
      %dma_start3A_70 = arith.constant 0 : i32
      %dma_start3A_71 = tpu.memref_slice %arg5[%mul3A_2, %dma_start3A_70] : memref<10240x128xf32, #tpu.memory_space<hbm>> -> memref<640x128xf32, #tpu.memory_space<hbm>>
      tpu.enqueue_dma source(%dma_start3A_71 : memref<640x128xf32, #tpu.memory_space<hbm>>) target(%dma_start3A_69 : memref<640x128xf32, #tpu.memory_space<vmem_shared>>) target_semaphore(%run_scoped3A : memref<!tpu.dma_semaphore, #tpu.memory_space<semaphore_mem>>)
      %dma_wait3A = arith.constant 0 : i32
      %dma_wait3A_72 = tpu.memref_slice %arg13[%mul3A_4, %dma_wait3A] : memref<10240x128xf32, #tpu.memory_space<vmem_shared>> -> memref<640x128xf32, #tpu.memory_space<vmem_shared>>
      %dma_wait3A_73 = arith.constant 0 : i32
      %dma_wait3A_74 = tpu.memref_slice %arg5[%mul3A_2, %dma_wait3A_73] : memref<10240x128xf32, #tpu.memory_space<hbm>> -> memref<640x128xf32, #tpu.memory_space<hbm>>
      tpu.wait_dma2 semaphore(%run_scoped3A : memref<!tpu.dma_semaphore, #tpu.memory_space<semaphore_mem>>) src(%dma_wait3A_74 : memref<640x128xf32, #tpu.memory_space<hbm>>) dst(%dma_wait3A_72 : memref<640x128xf32, #tpu.memory_space<vmem_shared>>)
      tpu.yield
    }) : () -> ()
    %mul3A_5 = arith.constant 640 : i32
    %mul3A_6 = arith.muli %arg1, %mul3A_5 : i32
    %mul3A_7 = arith.constant 640 : i32
    %mul3A_8 = arith.muli %arg1, %mul3A_7 : i32
    "tpu.region"() ({
      %run_scoped3A = tpu.sem_alloc : memref<!tpu.dma_semaphore, #tpu.memory_space<semaphore_mem>>
      %dma_start3A = tpu.memref_slice %arg14[%mul3A_8] : memref<10240xf32, #tpu.memory_space<vmem_shared>> -> memref<640xf32, #tpu.memory_space<vmem_shared>>
      %dma_start3A_69 = tpu.memref_slice %arg6[%mul3A_6] : memref<10240xf32, #tpu.memory_space<hbm>> -> memref<640xf32, #tpu.memory_space<hbm>>
      tpu.enqueue_dma source(%dma_start3A_69 : memref<640xf32, #tpu.memory_space<hbm>>) target(%dma_start3A : memref<640xf32, #tpu.memory_space<vmem_shared>>) target_semaphore(%run_scoped3A : memref<!tpu.dma_semaphore, #tpu.memory_space<semaphore_mem>>)
      %dma_wait3A = tpu.memref_slice %arg14[%mul3A_8] : memref<10240xf32, #tpu.memory_space<vmem_shared>> -> memref<640xf32, #tpu.memory_space<vmem_shared>>
      %dma_wait3A_70 = tpu.memref_slice %arg6[%mul3A_6] : memref<10240xf32, #tpu.memory_space<hbm>> -> memref<640xf32, #tpu.memory_space<hbm>>
      tpu.wait_dma2 semaphore(%run_scoped3A : memref<!tpu.dma_semaphore, #tpu.memory_space<semaphore_mem>>) src(%dma_wait3A_70 : memref<640xf32, #tpu.memory_space<hbm>>) dst(%dma_wait3A : memref<640xf32, #tpu.memory_space<vmem_shared>>)
      tpu.yield
    }) : () -> ()
    %broadcast_in_dim3A = arith.constant 1.000000e+00 : f32
    %broadcast_in_dim3A_9 = vector.broadcast %broadcast_in_dim3A : f32 to vector<16xf32>
    %swap3A = arith.constant 0 : index
    %swap3A_10 = tpu.vector_load %arg12[%swap3A] {strides = array<i32>} : memref<128xf32, #tpu.memory_space<vmem>>, vector<16xf32>,
    %swap3A_11 = vector.shape_cast %swap3A_10 : vector<16xf32> to vector<16xf32>
    %swap3A_12 = vector.shape_cast %broadcast_in_dim3A_9 : vector<16xf32> to vector<16xf32>
    tpu.vector_store %arg12[%swap3A], %swap3A_12 {strides = array<i32>} : memref<128xf32, #tpu.memory_space<vmem>>, vector<16xf32>,
    %broadcast_in_dim3A_13 = arith.constant 1.000000e+00 : f32
    %broadcast_in_dim3A_14 = vector.broadcast %broadcast_in_dim3A_13 : f32 to vector<16xf32>
    %swap3A_15 = arith.constant 16 : index
    %swap3A_16 = tpu.vector_load %arg12[%swap3A_15] {strides = array<i32>} : memref<128xf32, #tpu.memory_space<vmem>>, vector<16xf32>,
    %swap3A_17 = vector.shape_cast %swap3A_16 : vector<16xf32> to vector<16xf32>
    %swap3A_18 = vector.shape_cast %broadcast_in_dim3A_14 : vector<16xf32> to vector<16xf32>
    tpu.vector_store %arg12[%swap3A_15], %swap3A_18 {strides = array<i32>} : memref<128xf32, #tpu.memory_space<vmem>>, vector<16xf32>,
    %broadcast_in_dim3A_19 = arith.constant 1.000000e+00 : f32
    %broadcast_in_dim3A_20 = vector.broadcast %broadcast_in_dim3A_19 : f32 to vector<16xf32>
    %swap3A_21 = arith.constant 32 : index
    %swap3A_22 = tpu.vector_load %arg12[%swap3A_21] {strides = array<i32>} : memref<128xf32, #tpu.memory_space<vmem>>, vector<16xf32>,
    %swap3A_23 = vector.shape_cast %swap3A_22 : vector<16xf32> to vector<16xf32>
    %swap3A_24 = vector.shape_cast %broadcast_in_dim3A_20 : vector<16xf32> to vector<16xf32>
    tpu.vector_store %arg12[%swap3A_21], %swap3A_24 {strides = array<i32>} : memref<128xf32, #tpu.memory_space<vmem>>, vector<16xf32>,
    %broadcast_in_dim3A_25 = arith.constant 1.000000e+00 : f32
    %broadcast_in_dim3A_26 = vector.broadcast %broadcast_in_dim3A_25 : f32 to vector<16xf32>
    %swap3A_27 = arith.constant 48 : index
    %swap3A_28 = tpu.vector_load %arg12[%swap3A_27] {strides = array<i32>} : memref<128xf32, #tpu.memory_space<vmem>>, vector<16xf32>,
    %swap3A_29 = vector.shape_cast %swap3A_28 : vector<16xf32> to vector<16xf32>
    %swap3A_30 = vector.shape_cast %broadcast_in_dim3A_26 : vector<16xf32> to vector<16xf32>
    tpu.vector_store %arg12[%swap3A_27], %swap3A_30 {strides = array<i32>} : memref<128xf32, #tpu.memory_space<vmem>>, vector<16xf32>,
    %broadcast_in_dim3A_31 = arith.constant 1.000000e+00 : f32
    %broadcast_in_dim3A_32 = vector.broadcast %broadcast_in_dim3A_31 : f32 to vector<16xf32>
    %swap3A_33 = arith.constant 64 : index
    %swap3A_34 = tpu.vector_load %arg12[%swap3A_33] {strides = array<i32>} : memref<128xf32, #tpu.memory_space<vmem>>, vector<16xf32>,
    %swap3A_35 = vector.shape_cast %swap3A_34 : vector<16xf32> to vector<16xf32>
    %swap3A_36 = vector.shape_cast %broadcast_in_dim3A_32 : vector<16xf32> to vector<16xf32>
    tpu.vector_store %arg12[%swap3A_33], %swap3A_36 {strides = array<i32>} : memref<128xf32, #tpu.memory_space<vmem>>, vector<16xf32>,
    %broadcast_in_dim3A_37 = arith.constant 1.000000e+00 : f32
    %broadcast_in_dim3A_38 = vector.broadcast %broadcast_in_dim3A_37 : f32 to vector<16xf32>
    %swap3A_39 = arith.constant 80 : index
    %swap3A_40 = tpu.vector_load %arg12[%swap3A_39] {strides = array<i32>} : memref<128xf32, #tpu.memory_space<vmem>>, vector<16xf32>,
    %swap3A_41 = vector.shape_cast %swap3A_40 : vector<16xf32> to vector<16xf32>
    %swap3A_42 = vector.shape_cast %broadcast_in_dim3A_38 : vector<16xf32> to vector<16xf32>
    tpu.vector_store %arg12[%swap3A_39], %swap3A_42 {strides = array<i32>} : memref<128xf32, #tpu.memory_space<vmem>>, vector<16xf32>,
    %broadcast_in_dim3A_43 = arith.constant 1.000000e+00 : f32
    %broadcast_in_dim3A_44 = vector.broadcast %broadcast_in_dim3A_43 : f32 to vector<16xf32>
    %swap3A_45 = arith.constant 96 : index
    %swap3A_46 = tpu.vector_load %arg12[%swap3A_45] {strides = array<i32>} : memref<128xf32, #tpu.memory_space<vmem>>, vector<16xf32>,
    %swap3A_47 = vector.shape_cast %swap3A_46 : vector<16xf32> to vector<16xf32>
    %swap3A_48 = vector.shape_cast %broadcast_in_dim3A_44 : vector<16xf32> to vector<16xf32>
    tpu.vector_store %arg12[%swap3A_45], %swap3A_48 {strides = array<i32>} : memref<128xf32, #tpu.memory_space<vmem>>, vector<16xf32>,
    %broadcast_in_dim3A_49 = arith.constant 1.000000e+00 : f32
    %broadcast_in_dim3A_50 = vector.broadcast %broadcast_in_dim3A_49 : f32 to vector<16xf32>
    %swap3A_51 = arith.constant 112 : index
    %swap3A_52 = tpu.vector_load %arg12[%swap3A_51] {strides = array<i32>} : memref<128xf32, #tpu.memory_space<vmem>>, vector<16xf32>,
    %swap3A_53 = vector.shape_cast %swap3A_52 : vector<16xf32> to vector<16xf32>
    %swap3A_54 = vector.shape_cast %broadcast_in_dim3A_50 : vector<16xf32> to vector<16xf32>
    tpu.vector_store %arg12[%swap3A_51], %swap3A_54 {strides = array<i32>} : memref<128xf32, #tpu.memory_space<vmem>>, vector<16xf32>,
    %barrier3A = arith.constant 0 : index
    tpu.barrier barrier_id(%barrier3A)
    %scan3A = arith.constant 0 : i32
    %scan3A_55 = arith.constant 0 : i32
    %scan3A_56 = arith.constant 79 : i32
    %scan3A_57 = arith.addi %scan3A_55, %scan3A_56 : i32
    %scan3A_58 = arith.constant 1 : i32
    scf.for %scan3A_69 = %scan3A_55 to %scan3A_57 step %scan3A_58  : i32 {
      %mul3A_70 = arith.constant 79 : i32
      %mul3A_71 = arith.muli %add3A, %mul3A_70 : i32
      %add3A_72 = arith.addi %mul3A_71, %scan3A_69 : i32
      %mul3A_73 = arith.constant 128 : i32
      %mul3A_74 = arith.muli %add3A_72, %mul3A_73 : i32
      %multiple_of3A = tpu.assume_multiple %mul3A_74, 128 : i32
      "tpu.region"() ({
        %run_scoped3A = tpu.sem_alloc : memref<!tpu.dma_semaphore, #tpu.memory_space<semaphore_mem>>
        %dma_start3A_79 = tpu.memref_slice %arg3[%multiple_of3A] : memref<323584xi32, #tpu.memory_space<hbm>> -> memref<128xi32, #tpu.memory_space<hbm>>
        %dma_start3A_80 = tpu.memref_slice %arg3[%multiple_of3A] : memref<323584xi32, #tpu.memory_space<hbm>> -> memref<128xi32, #tpu.memory_space<hbm>>
        tpu.enqueue_dma source(%dma_start3A_80 : memref<128xi32, #tpu.memory_space<hbm>>) target(%arg9 : memref<128xi32, #tpu.memory_space<vmem>>) target_semaphore(%run_scoped3A : memref<!tpu.dma_semaphore, #tpu.memory_space<semaphore_mem>>)
        %dma_wait3A_81 = tpu.memref_slice %arg3[%multiple_of3A] : memref<323584xi32, #tpu.memory_space<hbm>> -> memref<128xi32, #tpu.memory_space<hbm>>
        %dma_wait3A_82 = tpu.memref_slice %arg3[%multiple_of3A] : memref<323584xi32, #tpu.memory_space<hbm>> -> memref<128xi32, #tpu.memory_space<hbm>>
        tpu.wait_dma2 semaphore(%run_scoped3A : memref<!tpu.dma_semaphore, #tpu.memory_space<semaphore_mem>>) src(%dma_wait3A_82 : memref<128xi32, #tpu.memory_space<hbm>>) dst(%arg9 : memref<128xi32, #tpu.memory_space<vmem>>)
        tpu.yield
      }) : () -> ()
      "tpu.region"() ({
        %run_scoped3A = tpu.sem_alloc : memref<!tpu.dma_semaphore, #tpu.memory_space<semaphore_mem>>
        %dma_start3A_79 = tpu.memref_slice %arg4[%multiple_of3A] : memref<323584xi32, #tpu.memory_space<hbm>> -> memref<128xi32, #tpu.memory_space<hbm>>
        %dma_start3A_80 = tpu.memref_slice %arg4[%multiple_of3A] : memref<323584xi32, #tpu.memory_space<hbm>> -> memref<128xi32, #tpu.memory_space<hbm>>
        tpu.enqueue_dma source(%dma_start3A_80 : memref<128xi32, #tpu.memory_space<hbm>>) target(%arg10 : memref<128xi32, #tpu.memory_space<vmem>>) target_semaphore(%run_scoped3A : memref<!tpu.dma_semaphore, #tpu.memory_space<semaphore_mem>>)
        %dma_wait3A_81 = tpu.memref_slice %arg4[%multiple_of3A] : memref<323584xi32, #tpu.memory_space<hbm>> -> memref<128xi32, #tpu.memory_space<hbm>>
        %dma_wait3A_82 = tpu.memref_slice %arg4[%multiple_of3A] : memref<323584xi32, #tpu.memory_space<hbm>> -> memref<128xi32, #tpu.memory_space<hbm>>
        tpu.wait_dma2 semaphore(%run_scoped3A : memref<!tpu.dma_semaphore, #tpu.memory_space<semaphore_mem>>) src(%dma_wait3A_82 : memref<128xi32, #tpu.memory_space<hbm>>) dst(%arg10 : memref<128xi32, #tpu.memory_space<vmem>>)
        tpu.yield
      }) : () -> ()
      %dma_start3A = arith.constant 0 : i32
      %dma_start3A_75 = arith.constant 0 : i32
      %dma_start3A_76 = tpu.memref_slice %arg2[%dma_start3A, %dma_start3A_75] : memref<10240x128xf32, #tpu.memory_space<hbm>> -> memref<10240x128xf32, #tpu.memory_space<hbm>>
      tpu.enqueue_indirect_dma source(%dma_start3A_76 : memref<10240x128xf32, #tpu.memory_space<hbm>>) target(%arg11 : memref<128x128xf32, #tpu.memory_space<vmem>>) offsets(%arg9 : memref<128xi32, #tpu.memory_space<vmem>>) semaphore(%arg15 : memref<!tpu.dma_semaphore, #tpu.memory_space<semaphore_mem>>)
      %dma_wait3A = arith.constant 0 : i32
      %dma_wait3A_77 = arith.constant 0 : i32
      %dma_wait3A_78 = tpu.memref_slice %arg2[%dma_wait3A, %dma_wait3A_77] : memref<10240x128xf32, #tpu.memory_space<hbm>> -> memref<10240x128xf32, #tpu.memory_space<hbm>>
      tpu.wait_indirect_dma semaphore(%arg15 : memref<!tpu.dma_semaphore, #tpu.memory_space<semaphore_mem>>) src(%dma_wait3A_78 : memref<10240x128xf32, #tpu.memory_space<hbm>>) dst(%arg11 : memref<128x128xf32, #tpu.memory_space<vmem>>)
      "tpu.region"() ({
        %run_scoped3A = tpu.sem_alloc : memref<!tpu.dma_semaphore, #tpu.memory_space<semaphore_mem>>
        %dma_start3A_79 = arith.constant 0 : i32
        %dma_start3A_80 = arith.constant 0 : i32
        %dma_start3A_81 = tpu.memref_slice %arg13[%dma_start3A_79, %dma_start3A_80] : memref<10240x128xf32, #tpu.memory_space<vmem_shared>> -> memref<10240x128xf32, #tpu.memory_space<vmem_shared>>
        tpu.enqueue_indirect_dma source(%arg11 : memref<128x128xf32, #tpu.memory_space<vmem>>) target(%dma_start3A_81 : memref<10240x128xf32, #tpu.memory_space<vmem_shared>>) offsets(%arg10 : memref<128xi32, #tpu.memory_space<vmem>>) semaphore(%run_scoped3A : memref<!tpu.dma_semaphore, #tpu.memory_space<semaphore_mem>>) {add = true}
        %dma_wait3A_82 = arith.constant 0 : i32
        %dma_wait3A_83 = arith.constant 0 : i32
        %dma_wait3A_84 = tpu.memref_slice %arg13[%dma_wait3A_82, %dma_wait3A_83] : memref<10240x128xf32, #tpu.memory_space<vmem_shared>> -> memref<10240x128xf32, #tpu.memory_space<vmem_shared>>
        tpu.wait_indirect_dma semaphore(%run_scoped3A : memref<!tpu.dma_semaphore, #tpu.memory_space<semaphore_mem>>) src(%arg11 : memref<128x128xf32, #tpu.memory_space<vmem>>) dst(%dma_wait3A_84 : memref<10240x128xf32, #tpu.memory_space<vmem_shared>>)
        tpu.yield
      }) : () -> ()
      "tpu.region"() ({
        %run_scoped3A = tpu.sem_alloc : memref<!tpu.dma_semaphore, #tpu.memory_space<semaphore_mem>>
        %dma_start3A_79 = arith.constant 0 : i32
        %dma_start3A_80 = tpu.memref_slice %arg14[%dma_start3A_79] : memref<10240xf32, #tpu.memory_space<vmem_shared>> -> memref<10240xf32, #tpu.memory_space<vmem_shared>>
        tpu.enqueue_indirect_dma source(%arg12 : memref<128xf32, #tpu.memory_space<vmem>>) target(%dma_start3A_80 : memref<10240xf32, #tpu.memory_space<vmem_shared>>) offsets(%arg10 : memref<128xi32, #tpu.memory_space<vmem>>) semaphore(%run_scoped3A : memref<!tpu.dma_semaphore, #tpu.memory_space<semaphore_mem>>) {add = true}
        %dma_wait3A_81 = arith.constant 0 : i32
        %dma_wait3A_82 = tpu.memref_slice %arg14[%dma_wait3A_81] : memref<10240xf32, #tpu.memory_space<vmem_shared>> -> memref<10240xf32, #tpu.memory_space<vmem_shared>>
        tpu.wait_indirect_dma semaphore(%run_scoped3A : memref<!tpu.dma_semaphore, #tpu.memory_space<semaphore_mem>>) src(%arg12 : memref<128xf32, #tpu.memory_space<vmem>>) dst(%dma_wait3A_82 : memref<10240xf32, #tpu.memory_space<vmem_shared>>)
        tpu.yield
      }) : () -> ()
    }
    %scan3A_59 = arith.constant 79 : i32
    %barrier3A_60 = arith.constant 0 : index
    tpu.barrier barrier_id(%barrier3A_60)
    %mul3A_61 = arith.constant 640 : i32
    %mul3A_62 = arith.muli %arg1, %mul3A_61 : i32
    %mul3A_63 = arith.constant 640 : i32
    %mul3A_64 = arith.muli %arg1, %mul3A_63 : i32
    "tpu.region"() ({
      %run_scoped3A = tpu.sem_alloc : memref<!tpu.dma_semaphore, #tpu.memory_space<semaphore_mem>>
      %dma_start3A = arith.constant 0 : i32
      %dma_start3A_69 = tpu.memref_slice %arg7[%arg0, %mul3A_64, %dma_start3A] : memref<2x10240x128xf32, #tpu.memory_space<hbm>> -> memref<1x640x128xf32, #tpu.memory_space<hbm>>
      %dma_start3A_70 = tpu.memref_squeeze %dma_start3A_69 : memref<1x640x128xf32, #tpu.memory_space<hbm>> -> memref<640x128xf32, #tpu.memory_space<hbm>>
      %dma_start3A_71 = arith.constant 0 : i32
      %dma_start3A_72 = tpu.memref_slice %arg13[%mul3A_62, %dma_start3A_71] : memref<10240x128xf32, #tpu.memory_space<vmem_shared>> -> memref<640x128xf32, #tpu.memory_space<vmem_shared>>
      tpu.enqueue_dma source(%dma_start3A_72 : memref<640x128xf32, #tpu.memory_space<vmem_shared>>) target(%dma_start3A_70 : memref<640x128xf32, #tpu.memory_space<hbm>>) target_semaphore(%run_scoped3A : memref<!tpu.dma_semaphore, #tpu.memory_space<semaphore_mem>>)
      %dma_wait3A = arith.constant 0 : i32
      %dma_wait3A_73 = tpu.memref_slice %arg7[%arg0, %mul3A_64, %dma_wait3A] : memref<2x10240x128xf32, #tpu.memory_space<hbm>> -> memref<1x640x128xf32, #tpu.memory_space<hbm>>
      %dma_wait3A_74 = tpu.memref_squeeze %dma_wait3A_73 : memref<1x640x128xf32, #tpu.memory_space<hbm>> -> memref<640x128xf32, #tpu.memory_space<hbm>>
      %dma_wait3A_75 = arith.constant 0 : i32
      %dma_wait3A_76 = tpu.memref_slice %arg13[%mul3A_62, %dma_wait3A_75] : memref<10240x128xf32, #tpu.memory_space<vmem_shared>> -> memref<640x128xf32, #tpu.memory_space<vmem_shared>>
      tpu.wait_dma2 semaphore(%run_scoped3A : memref<!tpu.dma_semaphore, #tpu.memory_space<semaphore_mem>>) src(%dma_wait3A_76 : memref<640x128xf32, #tpu.memory_space<vmem_shared>>) dst(%dma_wait3A_74 : memref<640x128xf32, #tpu.memory_space<hbm>>)
      tpu.yield
    }) : () -> ()
    %mul3A_65 = arith.constant 640 : i32
    %mul3A_66 = arith.muli %arg1, %mul3A_65 : i32
    %mul3A_67 = arith.constant 640 : i32
    %mul3A_68 = arith.muli %arg1, %mul3A_67 : i32
    "tpu.region"() ({
      %run_scoped3A = tpu.sem_alloc : memref<!tpu.dma_semaphore, #tpu.memory_space<semaphore_mem>>
      %dma_start3A = tpu.memref_slice %arg8[%arg0, %mul3A_68] : memref<2x10240xf32, #tpu.memory_space<hbm>> -> memref<1x640xf32, #tpu.memory_space<hbm>>
      %dma_start3A_69 = tpu.memref_squeeze %dma_start3A : memref<1x640xf32, #tpu.memory_space<hbm>> -> memref<640xf32, #tpu.memory_space<hbm>>
      %dma_start3A_70 = tpu.memref_slice %arg14[%mul3A_66] : memref<10240xf32, #tpu.memory_space<vmem_shared>> -> memref<640xf32, #tpu.memory_space<vmem_shared>>
      tpu.enqueue_dma source(%dma_start3A_70 : memref<640xf32, #tpu.memory_space<vmem_shared>>) target(%dma_start3A_69 : memref<640xf32, #tpu.memory_space<hbm>>) target_semaphore(%run_scoped3A : memref<!tpu.dma_semaphore, #tpu.memory_space<semaphore_mem>>)
      %dma_wait3A = tpu.memref_slice %arg8[%arg0, %mul3A_68] : memref<2x10240xf32, #tpu.memory_space<hbm>> -> memref<1x640xf32, #tpu.memory_space<hbm>>
      %dma_wait3A_71 = tpu.memref_squeeze %dma_wait3A : memref<1x640xf32, #tpu.memory_space<hbm>> -> memref<640xf32, #tpu.memory_space<hbm>>
      %dma_wait3A_72 = tpu.memref_slice %arg14[%mul3A_66] : memref<10240xf32, #tpu.memory_space<vmem_shared>> -> memref<640xf32, #tpu.memory_space<vmem_shared>>
      tpu.wait_dma2 semaphore(%run_scoped3A : memref<!tpu.dma_semaphore, #tpu.memory_space<semaphore_mem>>) src(%dma_wait3A_72 : memref<640xf32, #tpu.memory_space<vmem_shared>>) dst(%dma_wait3A_71 : memref<640xf32, #tpu.memory_space<hbm>>)
      tpu.yield
    }) : () -> ()
    return
  }
}

#map = affine_map<(d0, d1) -> (0, 0)>
#map1 = affine_map<(d0, d1) -> (0)>
#map2 = affine_map<(d0, d1) -> (0, 0, 0)>
module attributes {stable_mosaic.version = 14 : i64} {
  func.func @sc_segment_sum(%arg0: i32, %arg1: i32, %arg2: memref<10240x128xf32, #tpu.memory_space<hbm>>, %arg3: memref<323584xi32, #tpu.memory_space<hbm>>, %arg4: memref<323584xi32, #tpu.memory_space<hbm>>, %arg5: memref<10240x128xf32, #tpu.memory_space<hbm>>, %arg6: memref<2x10240x128xf32, #tpu.memory_space<hbm>>, %arg7: memref<128xi32, #tpu.memory_space<vmem>>, %arg8: memref<128xi32, #tpu.memory_space<vmem>>, %arg9: memref<128x128xf32, #tpu.memory_space<vmem>>, %arg10: memref<10240x128xf32, #tpu.memory_space<vmem_shared>>, %arg11: memref<!tpu.dma_semaphore, #tpu.memory_space<semaphore_mem>>) attributes {dimension_semantics = [#tpu.dimension_semantics<core_parallel>, #tpu.dimension_semantics<subcore_parallel>], iteration_bounds = array<i64: 2, 16>, scalar_prefetch = 0 : i64, scratch_operands = 5 : i64, tpu.core_type = #tpu.core_type<sc_vector_subcore>, window_params = [{transform_indices = #map}, {transform_indices = #map1}, {transform_indices = #map1}, {transform_indices = #map}, {transform_indices = #map2}]} {
    %mul3A = arith.constant 16 : i32
    %mul3A_0 = arith.muli %arg0, %mul3A : i32
    %add3A = arith.addi %mul3A_0, %arg1 : i32
    %mul3A_1 = arith.constant 640 : i32
    %mul3A_2 = arith.muli %arg1, %mul3A_1 : i32
    %mul3A_3 = arith.constant 640 : i32
    %mul3A_4 = arith.muli %arg1, %mul3A_3 : i32
    "tpu.region"() ({
      %run_scoped3A = tpu.sem_alloc : memref<!tpu.dma_semaphore, #tpu.memory_space<semaphore_mem>>
      %dma_start3A = arith.constant 0 : i32
      %dma_start3A_15 = tpu.memref_slice %arg10[%mul3A_4, %dma_start3A] : memref<10240x128xf32, #tpu.memory_space<vmem_shared>> -> memref<640x128xf32, #tpu.memory_space<vmem_shared>>
      %dma_start3A_16 = arith.constant 0 : i32
      %dma_start3A_17 = tpu.memref_slice %arg5[%mul3A_2, %dma_start3A_16] : memref<10240x128xf32, #tpu.memory_space<hbm>> -> memref<640x128xf32, #tpu.memory_space<hbm>>
      tpu.enqueue_dma source(%dma_start3A_17 : memref<640x128xf32, #tpu.memory_space<hbm>>) target(%dma_start3A_15 : memref<640x128xf32, #tpu.memory_space<vmem_shared>>) target_semaphore(%run_scoped3A : memref<!tpu.dma_semaphore, #tpu.memory_space<semaphore_mem>>)
      %dma_wait3A = arith.constant 0 : i32
      %dma_wait3A_18 = tpu.memref_slice %arg10[%mul3A_4, %dma_wait3A] : memref<10240x128xf32, #tpu.memory_space<vmem_shared>> -> memref<640x128xf32, #tpu.memory_space<vmem_shared>>
      %dma_wait3A_19 = arith.constant 0 : i32
      %dma_wait3A_20 = tpu.memref_slice %arg5[%mul3A_2, %dma_wait3A_19] : memref<10240x128xf32, #tpu.memory_space<hbm>> -> memref<640x128xf32, #tpu.memory_space<hbm>>
      tpu.wait_dma2 semaphore(%run_scoped3A : memref<!tpu.dma_semaphore, #tpu.memory_space<semaphore_mem>>) src(%dma_wait3A_20 : memref<640x128xf32, #tpu.memory_space<hbm>>) dst(%dma_wait3A_18 : memref<640x128xf32, #tpu.memory_space<vmem_shared>>)
      tpu.yield
    }) : () -> ()
    %barrier3A = arith.constant 0 : index
    tpu.barrier barrier_id(%barrier3A)
    %scan3A = arith.constant 0 : i32
    %scan3A_5 = arith.constant 0 : i32
    %scan3A_6 = arith.constant 79 : i32
    %scan3A_7 = arith.addi %scan3A_5, %scan3A_6 : i32
    %scan3A_8 = arith.constant 1 : i32
    scf.for %scan3A_15 = %scan3A_5 to %scan3A_7 step %scan3A_8  : i32 {
      %mul3A_16 = arith.constant 79 : i32
      %mul3A_17 = arith.muli %add3A, %mul3A_16 : i32
      %add3A_18 = arith.addi %mul3A_17, %scan3A_15 : i32
      %mul3A_19 = arith.constant 128 : i32
      %mul3A_20 = arith.muli %add3A_18, %mul3A_19 : i32
      %multiple_of3A = tpu.assume_multiple %mul3A_20, 128 : i32
      "tpu.region"() ({
        %run_scoped3A = tpu.sem_alloc : memref<!tpu.dma_semaphore, #tpu.memory_space<semaphore_mem>>
        %dma_start3A_25 = tpu.memref_slice %arg3[%multiple_of3A] : memref<323584xi32, #tpu.memory_space<hbm>> -> memref<128xi32, #tpu.memory_space<hbm>>
        %dma_start3A_26 = tpu.memref_slice %arg3[%multiple_of3A] : memref<323584xi32, #tpu.memory_space<hbm>> -> memref<128xi32, #tpu.memory_space<hbm>>
        tpu.enqueue_dma source(%dma_start3A_26 : memref<128xi32, #tpu.memory_space<hbm>>) target(%arg7 : memref<128xi32, #tpu.memory_space<vmem>>) target_semaphore(%run_scoped3A : memref<!tpu.dma_semaphore, #tpu.memory_space<semaphore_mem>>)
        %dma_wait3A_27 = tpu.memref_slice %arg3[%multiple_of3A] : memref<323584xi32, #tpu.memory_space<hbm>> -> memref<128xi32, #tpu.memory_space<hbm>>
        %dma_wait3A_28 = tpu.memref_slice %arg3[%multiple_of3A] : memref<323584xi32, #tpu.memory_space<hbm>> -> memref<128xi32, #tpu.memory_space<hbm>>
        tpu.wait_dma2 semaphore(%run_scoped3A : memref<!tpu.dma_semaphore, #tpu.memory_space<semaphore_mem>>) src(%dma_wait3A_28 : memref<128xi32, #tpu.memory_space<hbm>>) dst(%arg7 : memref<128xi32, #tpu.memory_space<vmem>>)
        tpu.yield
      }) : () -> ()
      "tpu.region"() ({
        %run_scoped3A = tpu.sem_alloc : memref<!tpu.dma_semaphore, #tpu.memory_space<semaphore_mem>>
        %dma_start3A_25 = tpu.memref_slice %arg4[%multiple_of3A] : memref<323584xi32, #tpu.memory_space<hbm>> -> memref<128xi32, #tpu.memory_space<hbm>>
        %dma_start3A_26 = tpu.memref_slice %arg4[%multiple_of3A] : memref<323584xi32, #tpu.memory_space<hbm>> -> memref<128xi32, #tpu.memory_space<hbm>>
        tpu.enqueue_dma source(%dma_start3A_26 : memref<128xi32, #tpu.memory_space<hbm>>) target(%arg8 : memref<128xi32, #tpu.memory_space<vmem>>) target_semaphore(%run_scoped3A : memref<!tpu.dma_semaphore, #tpu.memory_space<semaphore_mem>>)
        %dma_wait3A_27 = tpu.memref_slice %arg4[%multiple_of3A] : memref<323584xi32, #tpu.memory_space<hbm>> -> memref<128xi32, #tpu.memory_space<hbm>>
        %dma_wait3A_28 = tpu.memref_slice %arg4[%multiple_of3A] : memref<323584xi32, #tpu.memory_space<hbm>> -> memref<128xi32, #tpu.memory_space<hbm>>
        tpu.wait_dma2 semaphore(%run_scoped3A : memref<!tpu.dma_semaphore, #tpu.memory_space<semaphore_mem>>) src(%dma_wait3A_28 : memref<128xi32, #tpu.memory_space<hbm>>) dst(%arg8 : memref<128xi32, #tpu.memory_space<vmem>>)
        tpu.yield
      }) : () -> ()
      %dma_start3A = arith.constant 0 : i32
      %dma_start3A_21 = arith.constant 0 : i32
      %dma_start3A_22 = tpu.memref_slice %arg2[%dma_start3A, %dma_start3A_21] : memref<10240x128xf32, #tpu.memory_space<hbm>> -> memref<10240x128xf32, #tpu.memory_space<hbm>>
      tpu.enqueue_indirect_dma source(%dma_start3A_22 : memref<10240x128xf32, #tpu.memory_space<hbm>>) target(%arg9 : memref<128x128xf32, #tpu.memory_space<vmem>>) offsets(%arg7 : memref<128xi32, #tpu.memory_space<vmem>>) semaphore(%arg11 : memref<!tpu.dma_semaphore, #tpu.memory_space<semaphore_mem>>)
      %dma_wait3A = arith.constant 0 : i32
      %dma_wait3A_23 = arith.constant 0 : i32
      %dma_wait3A_24 = tpu.memref_slice %arg2[%dma_wait3A, %dma_wait3A_23] : memref<10240x128xf32, #tpu.memory_space<hbm>> -> memref<10240x128xf32, #tpu.memory_space<hbm>>
      tpu.wait_indirect_dma semaphore(%arg11 : memref<!tpu.dma_semaphore, #tpu.memory_space<semaphore_mem>>) src(%dma_wait3A_24 : memref<10240x128xf32, #tpu.memory_space<hbm>>) dst(%arg9 : memref<128x128xf32, #tpu.memory_space<vmem>>)
      "tpu.region"() ({
        %run_scoped3A = tpu.sem_alloc : memref<!tpu.dma_semaphore, #tpu.memory_space<semaphore_mem>>
        %dma_start3A_25 = arith.constant 0 : i32
        %dma_start3A_26 = arith.constant 0 : i32
        %dma_start3A_27 = tpu.memref_slice %arg10[%dma_start3A_25, %dma_start3A_26] : memref<10240x128xf32, #tpu.memory_space<vmem_shared>> -> memref<10240x128xf32, #tpu.memory_space<vmem_shared>>
        tpu.enqueue_indirect_dma source(%arg9 : memref<128x128xf32, #tpu.memory_space<vmem>>) target(%dma_start3A_27 : memref<10240x128xf32, #tpu.memory_space<vmem_shared>>) offsets(%arg8 : memref<128xi32, #tpu.memory_space<vmem>>) semaphore(%run_scoped3A : memref<!tpu.dma_semaphore, #tpu.memory_space<semaphore_mem>>) {add = true}
        %dma_wait3A_28 = arith.constant 0 : i32
        %dma_wait3A_29 = arith.constant 0 : i32
        %dma_wait3A_30 = tpu.memref_slice %arg10[%dma_wait3A_28, %dma_wait3A_29] : memref<10240x128xf32, #tpu.memory_space<vmem_shared>> -> memref<10240x128xf32, #tpu.memory_space<vmem_shared>>
        tpu.wait_indirect_dma semaphore(%run_scoped3A : memref<!tpu.dma_semaphore, #tpu.memory_space<semaphore_mem>>) src(%arg9 : memref<128x128xf32, #tpu.memory_space<vmem>>) dst(%dma_wait3A_30 : memref<10240x128xf32, #tpu.memory_space<vmem_shared>>)
        tpu.yield
      }) : () -> ()
    }
    %scan3A_9 = arith.constant 79 : i32
    %barrier3A_10 = arith.constant 0 : index
    tpu.barrier barrier_id(%barrier3A_10)
    %mul3A_11 = arith.constant 640 : i32
    %mul3A_12 = arith.muli %arg1, %mul3A_11 : i32
    %mul3A_13 = arith.constant 640 : i32
    %mul3A_14 = arith.muli %arg1, %mul3A_13 : i32
    "tpu.region"() ({
      %run_scoped3A = tpu.sem_alloc : memref<!tpu.dma_semaphore, #tpu.memory_space<semaphore_mem>>
      %dma_start3A = arith.constant 0 : i32
      %dma_start3A_15 = tpu.memref_slice %arg6[%arg0, %mul3A_14, %dma_start3A] : memref<2x10240x128xf32, #tpu.memory_space<hbm>> -> memref<1x640x128xf32, #tpu.memory_space<hbm>>
      %dma_start3A_16 = tpu.memref_squeeze %dma_start3A_15 : memref<1x640x128xf32, #tpu.memory_space<hbm>> -> memref<640x128xf32, #tpu.memory_space<hbm>>
      %dma_start3A_17 = arith.constant 0 : i32
      %dma_start3A_18 = tpu.memref_slice %arg10[%mul3A_12, %dma_start3A_17] : memref<10240x128xf32, #tpu.memory_space<vmem_shared>> -> memref<640x128xf32, #tpu.memory_space<vmem_shared>>
      tpu.enqueue_dma source(%dma_start3A_18 : memref<640x128xf32, #tpu.memory_space<vmem_shared>>) target(%dma_start3A_16 : memref<640x128xf32, #tpu.memory_space<hbm>>) target_semaphore(%run_scoped3A : memref<!tpu.dma_semaphore, #tpu.memory_space<semaphore_mem>>)
      %dma_wait3A = arith.constant 0 : i32
      %dma_wait3A_19 = tpu.memref_slice %arg6[%arg0, %mul3A_14, %dma_wait3A] : memref<2x10240x128xf32, #tpu.memory_space<hbm>> -> memref<1x640x128xf32, #tpu.memory_space<hbm>>
      %dma_wait3A_20 = tpu.memref_squeeze %dma_wait3A_19 : memref<1x640x128xf32, #tpu.memory_space<hbm>> -> memref<640x128xf32, #tpu.memory_space<hbm>>
      %dma_wait3A_21 = arith.constant 0 : i32
      %dma_wait3A_22 = tpu.memref_slice %arg10[%mul3A_12, %dma_wait3A_21] : memref<10240x128xf32, #tpu.memory_space<vmem_shared>> -> memref<640x128xf32, #tpu.memory_space<vmem_shared>>
      tpu.wait_dma2 semaphore(%run_scoped3A : memref<!tpu.dma_semaphore, #tpu.memory_space<semaphore_mem>>) src(%dma_wait3A_22 : memref<640x128xf32, #tpu.memory_space<vmem_shared>>) dst(%dma_wait3A_20 : memref<640x128xf32, #tpu.memory_space<hbm>>)
      tpu.yield
    }) : () -> ()
    return
  }
}

#map = affine_map<(d0, d1) -> (0, 0)>
#map1 = affine_map<(d0, d1) -> (0)>
#map2 = affine_map<(d0, d1) -> (0, 0, 0)>
module attributes {stable_mosaic.version = 14 : i64} {
  func.func @sc_segment_sum(%arg0: i32, %arg1: i32, %arg2: memref<10240x128xf32, #tpu.memory_space<hbm>>, %arg3: memref<323584xi32, #tpu.memory_space<hbm>>, %arg4: memref<323584xi32, #tpu.memory_space<hbm>>, %arg5: memref<10240x128xf32, #tpu.memory_space<hbm>>, %arg6: memref<2x10240x128xf32, #tpu.memory_space<hbm>>, %arg7: memref<128xi32, #tpu.memory_space<vmem>>, %arg8: memref<128xi32, #tpu.memory_space<vmem>>, %arg9: memref<128x128xf32, #tpu.memory_space<vmem>>, %arg10: memref<10240x128xf32, #tpu.memory_space<vmem_shared>>, %arg11: memref<!tpu.dma_semaphore, #tpu.memory_space<semaphore_mem>>) attributes {dimension_semantics = [#tpu.dimension_semantics<core_parallel>, #tpu.dimension_semantics<subcore_parallel>], iteration_bounds = array<i64: 2, 16>, scalar_prefetch = 0 : i64, scratch_operands = 5 : i64, tpu.core_type = #tpu.core_type<sc_vector_subcore>, window_params = [{transform_indices = #map}, {transform_indices = #map1}, {transform_indices = #map1}, {transform_indices = #map}, {transform_indices = #map2}]} {
    %mul3A = arith.constant 16 : i32
    %mul3A_0 = arith.muli %arg0, %mul3A : i32
    %add3A = arith.addi %mul3A_0, %arg1 : i32
    %mul3A_1 = arith.constant 640 : i32
    %mul3A_2 = arith.muli %arg1, %mul3A_1 : i32
    %mul3A_3 = arith.constant 640 : i32
    %mul3A_4 = arith.muli %arg1, %mul3A_3 : i32
    "tpu.region"() ({
      %run_scoped3A = tpu.sem_alloc : memref<!tpu.dma_semaphore, #tpu.memory_space<semaphore_mem>>
      %dma_start3A = arith.constant 0 : i32
      %dma_start3A_15 = tpu.memref_slice %arg10[%mul3A_4, %dma_start3A] : memref<10240x128xf32, #tpu.memory_space<vmem_shared>> -> memref<640x128xf32, #tpu.memory_space<vmem_shared>>
      %dma_start3A_16 = arith.constant 0 : i32
      %dma_start3A_17 = tpu.memref_slice %arg5[%mul3A_2, %dma_start3A_16] : memref<10240x128xf32, #tpu.memory_space<hbm>> -> memref<640x128xf32, #tpu.memory_space<hbm>>
      tpu.enqueue_dma source(%dma_start3A_17 : memref<640x128xf32, #tpu.memory_space<hbm>>) target(%dma_start3A_15 : memref<640x128xf32, #tpu.memory_space<vmem_shared>>) target_semaphore(%run_scoped3A : memref<!tpu.dma_semaphore, #tpu.memory_space<semaphore_mem>>)
      %dma_wait3A = arith.constant 0 : i32
      %dma_wait3A_18 = tpu.memref_slice %arg10[%mul3A_4, %dma_wait3A] : memref<10240x128xf32, #tpu.memory_space<vmem_shared>> -> memref<640x128xf32, #tpu.memory_space<vmem_shared>>
      %dma_wait3A_19 = arith.constant 0 : i32
      %dma_wait3A_20 = tpu.memref_slice %arg5[%mul3A_2, %dma_wait3A_19] : memref<10240x128xf32, #tpu.memory_space<hbm>> -> memref<640x128xf32, #tpu.memory_space<hbm>>
      tpu.wait_dma2 semaphore(%run_scoped3A : memref<!tpu.dma_semaphore, #tpu.memory_space<semaphore_mem>>) src(%dma_wait3A_20 : memref<640x128xf32, #tpu.memory_space<hbm>>) dst(%dma_wait3A_18 : memref<640x128xf32, #tpu.memory_space<vmem_shared>>)
      tpu.yield
    }) : () -> ()
    %barrier3A = arith.constant 0 : index
    tpu.barrier barrier_id(%barrier3A)
    %scan3A = arith.constant 0 : i32
    %scan3A_5 = arith.constant 0 : i32
    %scan3A_6 = arith.constant 79 : i32
    %scan3A_7 = arith.addi %scan3A_5, %scan3A_6 : i32
    %scan3A_8 = arith.constant 1 : i32
    scf.for %scan3A_15 = %scan3A_5 to %scan3A_7 step %scan3A_8  : i32 {
      %mul3A_16 = arith.constant 79 : i32
      %mul3A_17 = arith.muli %add3A, %mul3A_16 : i32
      %add3A_18 = arith.addi %mul3A_17, %scan3A_15 : i32
      %mul3A_19 = arith.constant 128 : i32
      %mul3A_20 = arith.muli %add3A_18, %mul3A_19 : i32
      %multiple_of3A = tpu.assume_multiple %mul3A_20, 128 : i32
      "tpu.region"() ({
        %run_scoped3A = tpu.sem_alloc : memref<!tpu.dma_semaphore, #tpu.memory_space<semaphore_mem>>
        %dma_start3A_25 = tpu.memref_slice %arg3[%multiple_of3A] : memref<323584xi32, #tpu.memory_space<hbm>> -> memref<128xi32, #tpu.memory_space<hbm>>
        %dma_start3A_26 = tpu.memref_slice %arg3[%multiple_of3A] : memref<323584xi32, #tpu.memory_space<hbm>> -> memref<128xi32, #tpu.memory_space<hbm>>
        tpu.enqueue_dma source(%dma_start3A_26 : memref<128xi32, #tpu.memory_space<hbm>>) target(%arg7 : memref<128xi32, #tpu.memory_space<vmem>>) target_semaphore(%run_scoped3A : memref<!tpu.dma_semaphore, #tpu.memory_space<semaphore_mem>>)
        %dma_wait3A_27 = tpu.memref_slice %arg3[%multiple_of3A] : memref<323584xi32, #tpu.memory_space<hbm>> -> memref<128xi32, #tpu.memory_space<hbm>>
        %dma_wait3A_28 = tpu.memref_slice %arg3[%multiple_of3A] : memref<323584xi32, #tpu.memory_space<hbm>> -> memref<128xi32, #tpu.memory_space<hbm>>
        tpu.wait_dma2 semaphore(%run_scoped3A : memref<!tpu.dma_semaphore, #tpu.memory_space<semaphore_mem>>) src(%dma_wait3A_28 : memref<128xi32, #tpu.memory_space<hbm>>) dst(%arg7 : memref<128xi32, #tpu.memory_space<vmem>>)
        tpu.yield
      }) : () -> ()
      "tpu.region"() ({
        %run_scoped3A = tpu.sem_alloc : memref<!tpu.dma_semaphore, #tpu.memory_space<semaphore_mem>>
        %dma_start3A_25 = tpu.memref_slice %arg4[%multiple_of3A] : memref<323584xi32, #tpu.memory_space<hbm>> -> memref<128xi32, #tpu.memory_space<hbm>>
        %dma_start3A_26 = tpu.memref_slice %arg4[%multiple_of3A] : memref<323584xi32, #tpu.memory_space<hbm>> -> memref<128xi32, #tpu.memory_space<hbm>>
        tpu.enqueue_dma source(%dma_start3A_26 : memref<128xi32, #tpu.memory_space<hbm>>) target(%arg8 : memref<128xi32, #tpu.memory_space<vmem>>) target_semaphore(%run_scoped3A : memref<!tpu.dma_semaphore, #tpu.memory_space<semaphore_mem>>)
        %dma_wait3A_27 = tpu.memref_slice %arg4[%multiple_of3A] : memref<323584xi32, #tpu.memory_space<hbm>> -> memref<128xi32, #tpu.memory_space<hbm>>
        %dma_wait3A_28 = tpu.memref_slice %arg4[%multiple_of3A] : memref<323584xi32, #tpu.memory_space<hbm>> -> memref<128xi32, #tpu.memory_space<hbm>>
        tpu.wait_dma2 semaphore(%run_scoped3A : memref<!tpu.dma_semaphore, #tpu.memory_space<semaphore_mem>>) src(%dma_wait3A_28 : memref<128xi32, #tpu.memory_space<hbm>>) dst(%arg8 : memref<128xi32, #tpu.memory_space<vmem>>)
        tpu.yield
      }) : () -> ()
      %dma_start3A = arith.constant 0 : i32
      %dma_start3A_21 = arith.constant 0 : i32
      %dma_start3A_22 = tpu.memref_slice %arg2[%dma_start3A, %dma_start3A_21] : memref<10240x128xf32, #tpu.memory_space<hbm>> -> memref<10240x128xf32, #tpu.memory_space<hbm>>
      tpu.enqueue_indirect_dma source(%dma_start3A_22 : memref<10240x128xf32, #tpu.memory_space<hbm>>) target(%arg9 : memref<128x128xf32, #tpu.memory_space<vmem>>) offsets(%arg7 : memref<128xi32, #tpu.memory_space<vmem>>) semaphore(%arg11 : memref<!tpu.dma_semaphore, #tpu.memory_space<semaphore_mem>>)
      %dma_wait3A = arith.constant 0 : i32
      %dma_wait3A_23 = arith.constant 0 : i32
      %dma_wait3A_24 = tpu.memref_slice %arg2[%dma_wait3A, %dma_wait3A_23] : memref<10240x128xf32, #tpu.memory_space<hbm>> -> memref<10240x128xf32, #tpu.memory_space<hbm>>
      tpu.wait_indirect_dma semaphore(%arg11 : memref<!tpu.dma_semaphore, #tpu.memory_space<semaphore_mem>>) src(%dma_wait3A_24 : memref<10240x128xf32, #tpu.memory_space<hbm>>) dst(%arg9 : memref<128x128xf32, #tpu.memory_space<vmem>>)
      "tpu.region"() ({
        %run_scoped3A = tpu.sem_alloc : memref<!tpu.dma_semaphore, #tpu.memory_space<semaphore_mem>>
        %dma_start3A_25 = arith.constant 0 : i32
        %dma_start3A_26 = arith.constant 0 : i32
        %dma_start3A_27 = tpu.memref_slice %arg10[%dma_start3A_25, %dma_start3A_26] : memref<10240x128xf32, #tpu.memory_space<vmem_shared>> -> memref<10240x128xf32, #tpu.memory_space<vmem_shared>>
        tpu.enqueue_indirect_dma source(%arg9 : memref<128x128xf32, #tpu.memory_space<vmem>>) target(%dma_start3A_27 : memref<10240x128xf32, #tpu.memory_space<vmem_shared>>) offsets(%arg8 : memref<128xi32, #tpu.memory_space<vmem>>) semaphore(%run_scoped3A : memref<!tpu.dma_semaphore, #tpu.memory_space<semaphore_mem>>) {add = true}
        %dma_wait3A_28 = arith.constant 0 : i32
        %dma_wait3A_29 = arith.constant 0 : i32
        %dma_wait3A_30 = tpu.memref_slice %arg10[%dma_wait3A_28, %dma_wait3A_29] : memref<10240x128xf32, #tpu.memory_space<vmem_shared>> -> memref<10240x128xf32, #tpu.memory_space<vmem_shared>>
        tpu.wait_indirect_dma semaphore(%run_scoped3A : memref<!tpu.dma_semaphore, #tpu.memory_space<semaphore_mem>>) src(%arg9 : memref<128x128xf32, #tpu.memory_space<vmem>>) dst(%dma_wait3A_30 : memref<10240x128xf32, #tpu.memory_space<vmem_shared>>)
        tpu.yield
      }) : () -> ()
    }
    %scan3A_9 = arith.constant 79 : i32
    %barrier3A_10 = arith.constant 0 : index
    tpu.barrier barrier_id(%barrier3A_10)
    %mul3A_11 = arith.constant 640 : i32
    %mul3A_12 = arith.muli %arg1, %mul3A_11 : i32
    %mul3A_13 = arith.constant 640 : i32
    %mul3A_14 = arith.muli %arg1, %mul3A_13 : i32
    "tpu.region"() ({
      %run_scoped3A = tpu.sem_alloc : memref<!tpu.dma_semaphore, #tpu.memory_space<semaphore_mem>>
      %dma_start3A = arith.constant 0 : i32
      %dma_start3A_15 = tpu.memref_slice %arg6[%arg0, %mul3A_14, %dma_start3A] : memref<2x10240x128xf32, #tpu.memory_space<hbm>> -> memref<1x640x128xf32, #tpu.memory_space<hbm>>
      %dma_start3A_16 = tpu.memref_squeeze %dma_start3A_15 : memref<1x640x128xf32, #tpu.memory_space<hbm>> -> memref<640x128xf32, #tpu.memory_space<hbm>>
      %dma_start3A_17 = arith.constant 0 : i32
      %dma_start3A_18 = tpu.memref_slice %arg10[%mul3A_12, %dma_start3A_17] : memref<10240x128xf32, #tpu.memory_space<vmem_shared>> -> memref<640x128xf32, #tpu.memory_space<vmem_shared>>
      tpu.enqueue_dma source(%dma_start3A_18 : memref<640x128xf32, #tpu.memory_space<vmem_shared>>) target(%dma_start3A_16 : memref<640x128xf32, #tpu.memory_space<hbm>>) target_semaphore(%run_scoped3A : memref<!tpu.dma_semaphore, #tpu.memory_space<semaphore_mem>>)
      %dma_wait3A = arith.constant 0 : i32
      %dma_wait3A_19 = tpu.memref_slice %arg6[%arg0, %mul3A_14, %dma_wait3A] : memref<2x10240x128xf32, #tpu.memory_space<hbm>> -> memref<1x640x128xf32, #tpu.memory_space<hbm>>
      %dma_wait3A_20 = tpu.memref_squeeze %dma_wait3A_19 : memref<1x640x128xf32, #tpu.memory_space<hbm>> -> memref<640x128xf32, #tpu.memory_space<hbm>>
      %dma_wait3A_21 = arith.constant 0 : i32
      %dma_wait3A_22 = tpu.memref_slice %arg10[%mul3A_12, %dma_wait3A_21] : memref<10240x128xf32, #tpu.memory_space<vmem_shared>> -> memref<640x128xf32, #tpu.memory_space<vmem_shared>>
      tpu.wait_dma2 semaphore(%run_scoped3A : memref<!tpu.dma_semaphore, #tpu.memory_space<semaphore_mem>>) src(%dma_wait3A_22 : memref<640x128xf32, #tpu.memory_space<vmem_shared>>) dst(%dma_wait3A_20 : memref<640x128xf32, #tpu.memory_space<hbm>>)
      tpu.yield
    }) : () -> ()
    return
  }
}

module attributes {stable_mosaic.version = 14 : i64} {
  func.func @_tc_first_body(%arg0: i32, %arg1: memref<2048x128xf32, #tpu.memory_space<vmem>>, %arg2: memref<128x128xf32, #tpu.memory_space<vmem>>, %arg3: memref<128x128xf32, #tpu.memory_space<vmem>>, %arg4: memref<1x128xf32, #tpu.memory_space<vmem>>, %arg5: memref<2048x128xf32, #tpu.memory_space<vmem>>, %arg6: memref<2048x128xf32, #tpu.memory_space<vmem>>) attributes {dimension_semantics = [#tpu.dimension_semantics<arbitrary>], iteration_bounds = array<i64: 5>, scalar_prefetch = 0 : i64, scratch_operands = 0 : i64, tpu.core_type = #tpu.core_type<tc>, window_params = [{transform_indices = @transform_0, window_bounds = array<i64: 2048, 128>}, {pipeline_mode = #tpu.pipeline_mode<synchronous>, transform_indices = @transform_1, window_bounds = array<i64: 128, 128>}, {pipeline_mode = #tpu.pipeline_mode<synchronous>, transform_indices = @transform_2, window_bounds = array<i64: 128, 128>}, {pipeline_mode = #tpu.pipeline_mode<synchronous>, transform_indices = @transform_3, window_bounds = array<i64: 1, 128>}, {transform_indices = @transform_4, window_bounds = array<i64: 2048, 128>}, {transform_indices = @transform_5, window_bounds = array<i64: 2048, 128>}]} {
    %get3A = arith.constant 0 : index
    %get3A_0 = arith.constant 0 : index
    %get3A_1 = vector.load %arg1[%get3A, %get3A_0] : memref<2048x128xf32, #tpu.memory_space<vmem>>, vector<2048x128xf32>
    %get3A_2 = arith.constant 0 : index
    %get3A_3 = arith.constant 0 : index
    %get3A_4 = vector.load %arg2[%get3A_2, %get3A_3] : memref<128x128xf32, #tpu.memory_space<vmem>>, vector<128x128xf32>
    %dot_general3A = arith.constant dense<0.000000e+00> : vector<2048x128xf32>
    %dot_general3A_5 = tpu.matmul %get3A_1, %get3A_4, %dot_general3A {dimension_numbers = #tpu.dot_dimension_numbers<[1], [1], [0], [0], [0, 0, 1, 0], [], []>, transpose_lhs_hint = false} : vector<2048x128xf32>, vector<128x128xf32>, vector<2048x128xf32> -> vector<2048x128xf32>
    %swap3A = arith.constant 0 : index
    %swap3A_6 = arith.constant 0 : index
    %swap3A_7 = vector.load %arg5[%swap3A, %swap3A_6] : memref<2048x128xf32, #tpu.memory_space<vmem>>, vector<2048x128xf32>
    tpu.vector_store %arg5[%swap3A, %swap3A_6], %dot_general3A_5 {strides = array<i32>} : memref<2048x128xf32, #tpu.memory_space<vmem>>, vector<2048x128xf32>,
    %get3A_8 = arith.constant 0 : index
    %get3A_9 = arith.constant 0 : index
    %get3A_10 = vector.load %arg3[%get3A_8, %get3A_9] : memref<128x128xf32, #tpu.memory_space<vmem>>, vector<128x128xf32>
    %dot_general3A_11 = arith.constant dense<0.000000e+00> : vector<2048x128xf32>
    %dot_general3A_12 = tpu.matmul %get3A_1, %get3A_10, %dot_general3A_11 {dimension_numbers = #tpu.dot_dimension_numbers<[1], [1], [0], [0], [0, 0, 1, 0], [], []>, transpose_lhs_hint = false} : vector<2048x128xf32>, vector<128x128xf32>, vector<2048x128xf32> -> vector<2048x128xf32>
    %get3A_13 = arith.constant 0 : index
    %get3A_14 = arith.constant 0 : index
    %get3A_15 = vector.load %arg4[%get3A_13, %get3A_14] : memref<1x128xf32, #tpu.memory_space<vmem>>, vector<1x128xf32>
    %add3A = vector.broadcast %get3A_15 : vector<1x128xf32> to vector<2048x128xf32>
    %add3A_16 = arith.addf %dot_general3A_12, %add3A : vector<2048x128xf32>
    %swap3A_17 = arith.constant 0 : index
    %swap3A_18 = arith.constant 0 : index
    %swap3A_19 = vector.load %arg6[%swap3A_17, %swap3A_18] : memref<2048x128xf32, #tpu.memory_space<vmem>>, vector<2048x128xf32>
    tpu.vector_store %arg6[%swap3A_17, %swap3A_18], %add3A_16 {strides = array<i32>} : memref<2048x128xf32, #tpu.memory_space<vmem>>, vector<2048x128xf32>,
    return
  }
  func.func @transform_0(%arg0: i32) -> (i32, i32) {
    %c0_i32 = arith.constant 0 : i32
    %c0_i32_0 = arith.constant 0 : i32
    return %arg0, %c0_i32 : i32, i32
  }
  func.func @transform_1(%arg0: i32) -> (i32, i32) {
    %c0_i32 = arith.constant 0 : i32
    %c0_i32_0 = arith.constant 0 : i32
    %c0_i32_1 = arith.constant 0 : i32
    return %c0_i32, %c0_i32_0 : i32, i32
  }
  func.func @transform_2(%arg0: i32) -> (i32, i32) {
    %c0_i32 = arith.constant 0 : i32
    %c0_i32_0 = arith.constant 0 : i32
    %c0_i32_1 = arith.constant 0 : i32
    return %c0_i32, %c0_i32_0 : i32, i32
  }
  func.func @transform_3(%arg0: i32) -> (i32, i32) {
    %c0_i32 = arith.constant 0 : i32
    %c0_i32_0 = arith.constant 0 : i32
    %c0_i32_1 = arith.constant 0 : i32
    return %c0_i32, %c0_i32_0 : i32, i32
  }
  func.func @transform_4(%arg0: i32) -> (i32, i32) {
    %c0_i32 = arith.constant 0 : i32
    %c0_i32_0 = arith.constant 0 : i32
    return %arg0, %c0_i32 : i32, i32
  }
  func.func @transform_5(%arg0: i32) -> (i32, i32) {
    %c0_i32 = arith.constant 0 : i32
    %c0_i32_0 = arith.constant 0 : i32
    return %arg0, %c0_i32 : i32, i32
  }
}

module attributes {stable_mosaic.version = 14 : i64} {
  func.func @_tc_mid_body(%arg0: i32, %arg1: memref<2x2048x128xf32, #tpu.memory_space<vmem>>, %arg2: memref<2x2048x1xf32, #tpu.memory_space<vmem>>, %arg3: memref<2048x128xf32, #tpu.memory_space<vmem>>, %arg4: memref<128x128xf32, #tpu.memory_space<vmem>>, %arg5: memref<128x128xf32, #tpu.memory_space<vmem>>, %arg6: memref<1x128xf32, #tpu.memory_space<vmem>>, %arg7: memref<2048x128xf32, #tpu.memory_space<vmem>>, %arg8: memref<2048x128xf32, #tpu.memory_space<vmem>>) attributes {dimension_semantics = [#tpu.dimension_semantics<arbitrary>], iteration_bounds = array<i64: 5>, scalar_prefetch = 0 : i64, scratch_operands = 0 : i64, tpu.core_type = #tpu.core_type<tc>, window_params = [{transform_indices = @transform_0, window_bounds = array<i64: 2, 2048, 128>}, {transform_indices = @transform_1, window_bounds = array<i64: 2, 2048, 1>}, {transform_indices = @transform_2, window_bounds = array<i64: 2048, 128>}, {pipeline_mode = #tpu.pipeline_mode<synchronous>, transform_indices = @transform_3, window_bounds = array<i64: 128, 128>}, {pipeline_mode = #tpu.pipeline_mode<synchronous>, transform_indices = @transform_4, window_bounds = array<i64: 128, 128>}, {pipeline_mode = #tpu.pipeline_mode<synchronous>, transform_indices = @transform_5, window_bounds = array<i64: 1, 128>}, {transform_indices = @transform_6, window_bounds = array<i64: 2048, 128>}, {transform_indices = @transform_7, window_bounds = array<i64: 2048, 128>}]} {
    %get3A = arith.constant 0 : index
    %get3A_0 = arith.constant 0 : index
    %get3A_1 = arith.constant 0 : index
    %get3A_2 = vector.load %arg1[%get3A, %get3A_0, %get3A_1] : memref<2x2048x128xf32, #tpu.memory_space<vmem>>, vector<1x2048x128xf32>
    %get3A_3 = vector.shape_cast %get3A_2 : vector<1x2048x128xf32> to vector<2048x128xf32>
    %get3A_4 = arith.constant 1 : index
    %get3A_5 = arith.constant 0 : index
    %get3A_6 = arith.constant 0 : index
    %get3A_7 = vector.load %arg1[%get3A_4, %get3A_5, %get3A_6] : memref<2x2048x128xf32, #tpu.memory_space<vmem>>, vector<1x2048x128xf32>
    %get3A_8 = vector.shape_cast %get3A_7 : vector<1x2048x128xf32> to vector<2048x128xf32>
    %add3A = arith.addf %get3A_3, %get3A_8 : vector<2048x128xf32>
    %get3A_9 = arith.constant 0 : index
    %get3A_10 = arith.constant 0 : index
    %get3A_11 = arith.constant 0 : index
    %get3A_12 = vector.load %arg2[%get3A_9, %get3A_10, %get3A_11] : memref<2x2048x1xf32, #tpu.memory_space<vmem>>, vector<1x2048x1xf32>
    %get3A_13 = vector.shape_cast %get3A_12 : vector<1x2048x1xf32> to vector<2048x1xf32>
    %get3A_14 = arith.constant 1 : index
    %get3A_15 = arith.constant 0 : index
    %get3A_16 = arith.constant 0 : index
    %get3A_17 = vector.load %arg2[%get3A_14, %get3A_15, %get3A_16] : memref<2x2048x1xf32, #tpu.memory_space<vmem>>, vector<1x2048x1xf32>
    %get3A_18 = vector.shape_cast %get3A_17 : vector<1x2048x1xf32> to vector<2048x1xf32>
    %add3A_19 = arith.addf %get3A_13, %get3A_18 : vector<2048x1xf32>
    %max3A = arith.constant 1.000000e+00 : f32
    %max3A_20 = vector.broadcast %max3A : f32 to vector<2048x1xf32>
    %max3A_21 = arith.maximumf %add3A_19, %max3A_20 : vector<2048x1xf32>
    %div3A = arith.constant 1.000000e+00 : f32
    %div3A_22 = vector.broadcast %div3A : f32 to vector<2048x1xf32>
    %div3A_23 = arith.divf %div3A_22, %max3A_21 : vector<2048x1xf32>
    %mul3A = vector.broadcast %div3A_23 : vector<2048x1xf32> to vector<2048x128xf32>
    %mul3A_24 = arith.mulf %add3A, %mul3A : vector<2048x128xf32>
    %get3A_25 = arith.constant 0 : index
    %get3A_26 = arith.constant 0 : index
    %get3A_27 = vector.load %arg3[%get3A_25, %get3A_26] : memref<2048x128xf32, #tpu.memory_space<vmem>>, vector<2048x128xf32>
    %add3A_28 = arith.addf %mul3A_24, %get3A_27 : vector<2048x128xf32>
    %max3A_29 = arith.constant 0.000000e+00 : f32
    %max3A_30 = vector.broadcast %max3A_29 : f32 to vector<2048x128xf32>
    %max3A_31 = arith.maximumf %add3A_28, %max3A_30 : vector<2048x128xf32>
    %get3A_32 = arith.constant 0 : index
    %get3A_33 = arith.constant 0 : index
    %get3A_34 = vector.load %arg4[%get3A_32, %get3A_33] : memref<128x128xf32, #tpu.memory_space<vmem>>, vector<128x128xf32>
    %dot_general3A = arith.constant dense<0.000000e+00> : vector<2048x128xf32>
    %dot_general3A_35 = tpu.matmul %max3A_31, %get3A_34, %dot_general3A {dimension_numbers = #tpu.dot_dimension_numbers<[1], [1], [0], [0], [0, 0, 1, 0], [], []>, transpose_lhs_hint = false} : vector<2048x128xf32>, vector<128x128xf32>, vector<2048x128xf32> -> vector<2048x128xf32>
    %swap3A = arith.constant 0 : index
    %swap3A_36 = arith.constant 0 : index
    %swap3A_37 = vector.load %arg7[%swap3A, %swap3A_36] : memref<2048x128xf32, #tpu.memory_space<vmem>>, vector<2048x128xf32>
    tpu.vector_store %arg7[%swap3A, %swap3A_36], %dot_general3A_35 {strides = array<i32>} : memref<2048x128xf32, #tpu.memory_space<vmem>>, vector<2048x128xf32>,
    %get3A_38 = arith.constant 0 : index
    %get3A_39 = arith.constant 0 : index
    %get3A_40 = vector.load %arg5[%get3A_38, %get3A_39] : memref<128x128xf32, #tpu.memory_space<vmem>>, vector<128x128xf32>
    %dot_general3A_41 = arith.constant dense<0.000000e+00> : vector<2048x128xf32>
    %dot_general3A_42 = tpu.matmul %max3A_31, %get3A_40, %dot_general3A_41 {dimension_numbers = #tpu.dot_dimension_numbers<[1], [1], [0], [0], [0, 0, 1, 0], [], []>, transpose_lhs_hint = false} : vector<2048x128xf32>, vector<128x128xf32>, vector<2048x128xf32> -> vector<2048x128xf32>
    %get3A_43 = arith.constant 0 : index
    %get3A_44 = arith.constant 0 : index
    %get3A_45 = vector.load %arg6[%get3A_43, %get3A_44] : memref<1x128xf32, #tpu.memory_space<vmem>>, vector<1x128xf32>
    %add3A_46 = vector.broadcast %get3A_45 : vector<1x128xf32> to vector<2048x128xf32>
    %add3A_47 = arith.addf %dot_general3A_42, %add3A_46 : vector<2048x128xf32>
    %swap3A_48 = arith.constant 0 : index
    %swap3A_49 = arith.constant 0 : index
    %swap3A_50 = vector.load %arg8[%swap3A_48, %swap3A_49] : memref<2048x128xf32, #tpu.memory_space<vmem>>, vector<2048x128xf32>
    tpu.vector_store %arg8[%swap3A_48, %swap3A_49], %add3A_47 {strides = array<i32>} : memref<2048x128xf32, #tpu.memory_space<vmem>>, vector<2048x128xf32>,
    return
  }
  func.func @transform_0(%arg0: i32) -> (i32, i32, i32) {
    %c0_i32 = arith.constant 0 : i32
    %c0_i32_0 = arith.constant 0 : i32
    %c0_i32_1 = arith.constant 0 : i32
    return %c0_i32, %arg0, %c0_i32_0 : i32, i32, i32
  }
  func.func @transform_1(%arg0: i32) -> (i32, i32, i32) {
    %c0_i32 = arith.constant 0 : i32
    %c0_i32_0 = arith.constant 0 : i32
    %c0_i32_1 = arith.constant 0 : i32
    return %c0_i32, %arg0, %c0_i32_0 : i32, i32, i32
  }
  func.func @transform_2(%arg0: i32) -> (i32, i32) {
    %c0_i32 = arith.constant 0 : i32
    %c0_i32_0 = arith.constant 0 : i32
    return %arg0, %c0_i32 : i32, i32
  }
  func.func @transform_3(%arg0: i32) -> (i32, i32) {
    %c0_i32 = arith.constant 0 : i32
    %c0_i32_0 = arith.constant 0 : i32
    %c0_i32_1 = arith.constant 0 : i32
    return %c0_i32, %c0_i32_0 : i32, i32
  }
  func.func @transform_4(%arg0: i32) -> (i32, i32) {
    %c0_i32 = arith.constant 0 : i32
    %c0_i32_0 = arith.constant 0 : i32
    %c0_i32_1 = arith.constant 0 : i32
    return %c0_i32, %c0_i32_0 : i32, i32
  }
  func.func @transform_5(%arg0: i32) -> (i32, i32) {
    %c0_i32 = arith.constant 0 : i32
    %c0_i32_0 = arith.constant 0 : i32
    %c0_i32_1 = arith.constant 0 : i32
    return %c0_i32, %c0_i32_0 : i32, i32
  }
  func.func @transform_6(%arg0: i32) -> (i32, i32) {
    %c0_i32 = arith.constant 0 : i32
    %c0_i32_0 = arith.constant 0 : i32
    return %arg0, %c0_i32 : i32, i32
  }
  func.func @transform_7(%arg0: i32) -> (i32, i32) {
    %c0_i32 = arith.constant 0 : i32
    %c0_i32_0 = arith.constant 0 : i32
    return %arg0, %c0_i32 : i32, i32
  }
}

module attributes {stable_mosaic.version = 14 : i64} {
  func.func @_tc_last_body(%arg0: i32, %arg1: memref<2x2000x128xf32, #tpu.memory_space<vmem>>, %arg2: memref<2x2000x1xf32, #tpu.memory_space<vmem>>, %arg3: memref<2000x128xf32, #tpu.memory_space<vmem>>, %arg4: memref<2000x128xf32, #tpu.memory_space<vmem>>) attributes {dimension_semantics = [#tpu.dimension_semantics<arbitrary>], iteration_bounds = array<i64: 5>, scalar_prefetch = 0 : i64, scratch_operands = 0 : i64, tpu.core_type = #tpu.core_type<tc>, window_params = [{transform_indices = @transform_0, window_bounds = array<i64: 2, 2000, 128>}, {transform_indices = @transform_1, window_bounds = array<i64: 2, 2000, 1>}, {transform_indices = @transform_2, window_bounds = array<i64: 2000, 128>}, {transform_indices = @transform_3, window_bounds = array<i64: 2000, 128>}]} {
    %get3A = arith.constant 0 : index
    %get3A_0 = arith.constant 0 : index
    %get3A_1 = arith.constant 0 : index
    %get3A_2 = vector.load %arg1[%get3A, %get3A_0, %get3A_1] : memref<2x2000x128xf32, #tpu.memory_space<vmem>>, vector<1x2000x128xf32>
    %get3A_3 = vector.shape_cast %get3A_2 : vector<1x2000x128xf32> to vector<2000x128xf32>
    %get3A_4 = arith.constant 1 : index
    %get3A_5 = arith.constant 0 : index
    %get3A_6 = arith.constant 0 : index
    %get3A_7 = vector.load %arg1[%get3A_4, %get3A_5, %get3A_6] : memref<2x2000x128xf32, #tpu.memory_space<vmem>>, vector<1x2000x128xf32>
    %get3A_8 = vector.shape_cast %get3A_7 : vector<1x2000x128xf32> to vector<2000x128xf32>
    %add3A = arith.addf %get3A_3, %get3A_8 : vector<2000x128xf32>
    %get3A_9 = arith.constant 0 : index
    %get3A_10 = arith.constant 0 : index
    %get3A_11 = arith.constant 0 : index
    %get3A_12 = vector.load %arg2[%get3A_9, %get3A_10, %get3A_11] : memref<2x2000x1xf32, #tpu.memory_space<vmem>>, vector<1x2000x1xf32>
    %get3A_13 = vector.shape_cast %get3A_12 : vector<1x2000x1xf32> to vector<2000x1xf32>
    %get3A_14 = arith.constant 1 : index
    %get3A_15 = arith.constant 0 : index
    %get3A_16 = arith.constant 0 : index
    %get3A_17 = vector.load %arg2[%get3A_14, %get3A_15, %get3A_16] : memref<2x2000x1xf32, #tpu.memory_space<vmem>>, vector<1x2000x1xf32>
    %get3A_18 = vector.shape_cast %get3A_17 : vector<1x2000x1xf32> to vector<2000x1xf32>
    %add3A_19 = arith.addf %get3A_13, %get3A_18 : vector<2000x1xf32>
    %max3A = arith.constant 1.000000e+00 : f32
    %max3A_20 = vector.broadcast %max3A : f32 to vector<2000x1xf32>
    %max3A_21 = arith.maximumf %add3A_19, %max3A_20 : vector<2000x1xf32>
    %div3A = arith.constant 1.000000e+00 : f32
    %div3A_22 = vector.broadcast %div3A : f32 to vector<2000x1xf32>
    %div3A_23 = arith.divf %div3A_22, %max3A_21 : vector<2000x1xf32>
    %mul3A = vector.broadcast %div3A_23 : vector<2000x1xf32> to vector<2000x128xf32>
    %mul3A_24 = arith.mulf %add3A, %mul3A : vector<2000x128xf32>
    %get3A_25 = arith.constant 0 : index
    %get3A_26 = arith.constant 0 : index
    %get3A_27 = vector.load %arg3[%get3A_25, %get3A_26] : memref<2000x128xf32, #tpu.memory_space<vmem>>, vector<2000x128xf32>
    %add3A_28 = arith.addf %mul3A_24, %get3A_27 : vector<2000x128xf32>
    %logistic3A = arith.negf %add3A_28 : vector<2000x128xf32>
    %logistic3A_29 = math.exp %logistic3A : vector<2000x128xf32>
    %logistic3A_30 = arith.constant 1.000000e+00 : f32
    %logistic3A_31 = vector.broadcast %logistic3A_30 : f32 to vector<2000x128xf32>
    %logistic3A_32 = arith.addf %logistic3A_31, %logistic3A_29 : vector<2000x128xf32>
    %logistic3A_33 = arith.divf %logistic3A_31, %logistic3A_32 : vector<2000x128xf32>
    %swap3A = arith.constant 0 : index
    %swap3A_34 = arith.constant 0 : index
    %swap3A_35 = vector.load %arg4[%swap3A, %swap3A_34] : memref<2000x128xf32, #tpu.memory_space<vmem>>, vector<2000x128xf32>
    tpu.vector_store %arg4[%swap3A, %swap3A_34], %logistic3A_33 {strides = array<i32>} : memref<2000x128xf32, #tpu.memory_space<vmem>>, vector<2000x128xf32>,
    return
  }
  func.func @transform_0(%arg0: i32) -> (i32, i32, i32) {
    %c0_i32 = arith.constant 0 : i32
    %c0_i32_0 = arith.constant 0 : i32
    %c0_i32_1 = arith.constant 0 : i32
    return %c0_i32, %arg0, %c0_i32_0 : i32, i32, i32
  }
  func.func @transform_1(%arg0: i32) -> (i32, i32, i32) {
    %c0_i32 = arith.constant 0 : i32
    %c0_i32_0 = arith.constant 0 : i32
    %c0_i32_1 = arith.constant 0 : i32
    return %c0_i32, %arg0, %c0_i32_0 : i32, i32, i32
  }
  func.func @transform_2(%arg0: i32) -> (i32, i32) {
    %c0_i32 = arith.constant 0 : i32
    %c0_i32_0 = arith.constant 0 : i32
    return %arg0, %c0_i32 : i32, i32
  }
  func.func @transform_3(%arg0: i32) -> (i32, i32) {
    %c0_i32 = arith.constant 0 : i32
    %c0_i32_0 = arith.constant 0 : i32
    return %arg0, %c0_i32 : i32, i32
  }
}

</mosaic_0001>

<sc_bundles>
// kernel: sc_segment_sum.4.cloned.1.call-start
scs
__scs_entry_jumppad:
0x0: {  	(pc) =	sbr.rel $0x88, $3  }
0x1: {  	(tag) =	ssettag $0x0;
	lr =	simm.s32 $0x1  }
0x2: {  	[smem:$0x3F96] =	sst lr;
	_ =	strace $0xD0000000  }
0x3: {  	_ = 	snop  }
0x4: {  	_ = 	snop  }
0x5: {  	_ = 	snop  }
0x6: {  	_ = 	snop  }
0x7: {  	_ = 	snop  }
__scs_overlays_trampoline_lowered:
0x8: {  	[smem:$0x3FA5] =	sst s0  }
0x9: {  	[smem:$0x3FA6] =	sst s1  }
0xa: {  	[smem:$0x3FA7] =	sst s2  }
0xb: {  	[smem:$0x3FA8] =	sst s3  }
0xc: {  	[smem:$0x3FA9] =	sst s4  }
0xd: {  	[smem:$0x3FAA] =	sst s5  }
0xe: {  	[smem:$0x3FAB] =	sst s6  }
0xf: {  	[smem:$0x3FAC] =	sst s7  }
0x10: {  	[smem:$0x3FAD] =	sst s8  }
0x11: {  	[smem:$0x3FAE] =	sst s9;
	s0 =	simm.s32 @!p0 $0x0  }
0x12: {  	s1 =	sld [smem:$0x3F94];
	s0 =	simm.s32 @p0 $0x1  }
0x13: {  	[smem:$0x3FAF] =	sst s0;
	s0 =	simm.s32 @!p1 $0x0  }
0x14: {  	s2 =	sld [smem:$0x3F93];
	s0 =	simm.s32 @p1 $0x1  }
0x15: {  	[smem:$0x3FB0] =	sst s0;
	s0 =	simm.s32 @!p2 $0x0  }
0x16: {  	s3 =	sld [smem:$0x3FDB];
	s0 =	simm.s32 @p2 $0x1  }
0x17: {  	s4 =	simm.s32 $0x1BF5;
	[smem:$0x3FB2] =	sst s0  }
0x18: {  	s0 =	sld [smem:$0x3F95];
	_ =	swait.ge [sflag:s4], $0x0  }
0x19: {  	s7 =	sld [smem:$0x3F96]  }
0x1a: {  	s8 =	sadd.s32 $0xFFFFE003, lr  }
0x1b: {  	s9 =	sadd.s32 $0xFFFFFEF7, lr;
	s5 =	simm.s32 $0xFFFFFFFF;
	p2 =	slt.u32 s8, $0xFFFFF086  }
0x1c: {  	p1 =	slt.u32 s9, $0xF7A;
	s5 =	simm.s32 @!p2 $0x0  }
0x1d: {  	s5 =	simm.s32 @p1 $0x1;
	p0 =	seq.s32 s7, s2  }
0x1e: {  	s7 =	smul.u32 @!p0 $0xF7A, s2;
	p2 =	seq.s32 @!p0 s5, $0x0  }
0x1f: {  	s9 =	smul.u32 $0xF7A, s1;
	s8 =	simm.s32 @!p0 $0x1BF5;
	p2 =	por !p2, p0  }
0x20: {  	[sflag:s8] =	ssyncset.s32 @!p0 $0xFFFFF086;
	s6 =	sadd.s32 @!p0 s3, s7;
	s7 =	simm.s32 @!p0 $0x108  }
0x21: {  	s3 =	sadd.s32 s3, s9;
	s6 =	sadd.s32 @!p0 $0x88, s6;
	s7 =	simm.s32 @p2 $0x1082  }
0x22: {  	[simem:s7], [sflag:s8] =	dma.local @!p0 [hbm:s6], $0xF7A  }
0x23: {  	s9 =	sor.u32 $0xD0000000, s2;
	s6 =	simm.s32 $0x108;
	_ =	swait.ge @!p0 [sflag:s8], $0x0  }
0x24: {  	s3 =	sadd.s32 $0x88, s3;
	s6 =	simm.s32 @!p1 $0x1082;
	[sflag:s4] =	ssyncset.s32 $0xFFFFF086  }
0x25: {  	[simem:s6], [sflag:s4] =	dma.local [hbm:s3], $0xF7A  }
0x26: {  	[smem:$0x3F96] =	sst s1;
	(tag) =	ssettag s2;
	_ =	strace s9  }
0x27: {  	s1 =	sld [smem:$0x3FA6]  }
0x28: {  	s2 =	sld [smem:$0x3FA7]  }
0x29: {  	s4 =	sld [smem:$0x3FA9]  }
0x2a: {  	p0 =	seq.s32 s5, $0x0;
	s5 =	sld [smem:$0x3FAA]  }
0x2b: {  	s6 =	sld [smem:$0x3FAB]  }
0x2c: {  	s7 =	sld [smem:$0x3FAC]  }
0x2d: {  	s3 =	simm.s32 $0x108;
	s8 =	sld [smem:$0x3FAD]  }
0x2e: {  	s3 =	simm.s32 @!p0 $0x1082;
	s9 =	sld [smem:$0x3FAE]  }
0x2f: {  	lr =	sadd.s32 s0, s3;
	s0 =	sld [smem:$0x3FA5]  }
0x30: {  	s3 =	sld [smem:$0x3FA8]  }
0x31: {  	[smem:$0x3FB1] =	sst s10  }
0x32: {  	s10 =	sld [smem:$0x3FAF];
	_ =	sdelay $0x3  }
0x33: {  	p0 =	seq.s32 s10, $0x1;
	s10 =	sld [smem:$0x3FB1];
	_ =	sdelay $0x3  }
0x34: {  	[smem:$0x3FB1] =	sst s10  }
0x35: {  	s10 =	sld [smem:$0x3FB0];
	_ =	sdelay $0x3  }
0x36: {  	p1 =	seq.s32 s10, $0x1;
	s10 =	sld [smem:$0x3FB1];
	_ =	sdelay $0x3  }
0x37: {  	[smem:$0x3FB1] =	sst s10  }
0x38: {  	s10 =	sld [smem:$0x3FB2]  }
0x39: {  	_ = 	snop;
	(pc) =	sbr.ind lr, $3  }
0x3a: {  	_ = 	snop  }
0x3b: {  	_ = 	snop  }
0x3c: {  	p2 =	seq.s32 s10, $0x1;
	s10 =	sld [smem:$0x3FB1]  }
0x3d: {  	_ =	shalt  }
0x3e: {  	_ =	shalt  }
0x3f: {  	_ =	shalt  }
0x40: {  	_ =	shalt  }
0x41: {  	_ =	shalt  }
0x42: {  	_ =	shalt  }
0x43: {  	_ =	shalt  }
0x44: {  	_ =	shalt  }
0x45: {  	_ =	shalt  }
0x46: {  	_ =	shalt  }
0x47: {  	_ =	shalt  }
0x48: {  	_ =	shalt  }
0x49: {  	_ =	shalt  }
0x4a: {  	_ =	shalt  }
0x4b: {  	_ =	shalt  }
0x4c: {  	_ =	shalt  }
0x4d: {  	_ =	shalt  }
0x4e: {  	_ =	shalt  }
0x4f: {  	_ =	shalt  }
0x50: {  	_ =	shalt  }
0x51: {  	_ =	shalt  }
0x52: {  	_ =	shalt  }
0x53: {  	_ =	shalt  }
0x54: {  	_ =	shalt  }
0x55: {  	_ =	shalt  }
0x56: {  	_ =	shalt  }
0x57: {  	_ =	shalt  }
0x58: {  	_ =	shalt  }
0x59: {  	_ =	shalt  }
0x5a: {  	_ =	shalt  }
0x5b: {  	_ =	shalt  }
0x5c: {  	_ =	shalt  }
0x5d: {  	_ =	shalt  }
0x5e: {  	_ =	shalt  }
0x5f: {  	_ =	shalt  }
0x60: {  	_ =	shalt  }
0x61: {  	_ =	shalt  }
0x62: {  	_ =	shalt  }
0x63: {  	_ =	shalt  }
0x64: {  	_ =	shalt  }
0x65: {  	_ =	shalt  }
0x66: {  	_ =	shalt  }
0x67: {  	_ =	shalt  }
0x68: {  	_ =	shalt  }
0x69: {  	_ =	shalt  }
0x6a: {  	_ =	shalt  }
0x6b: {  	_ =	shalt  }
0x6c: {  	_ =	shalt  }
0x6d: {  	_ =	shalt  }
0x6e: {  	_ =	shalt  }
0x6f: {  	_ =	shalt  }
0x70: {  	_ =	shalt  }
0x71: {  	_ =	shalt  }
0x72: {  	_ =	shalt  }
0x73: {  	_ =	shalt  }
0x74: {  	_ =	shalt  }
0x75: {  	_ =	shalt  }
0x76: {  	_ =	shalt  }
0x77: {  	_ =	shalt  }
0x78: {  	_ =	shalt  }
0x79: {  	_ =	shalt  }
0x7a: {  	_ =	shalt  }
0x7b: {  	_ =	shalt  }
0x7c: {  	_ =	shalt  }
0x7d: {  	_ =	shalt  }
0x7e: {  	_ =	shalt  }
0x7f: {  	_ =	shalt  }
0x80: {  	_ =	shalt  }
0x81: {  	_ =	shalt  }
0x82: {  	_ =	shalt  }
0x83: {  	_ =	shalt  }
0x84: {  	_ =	shalt  }
0x85: {  	_ =	shalt  }
0x86: {  	_ =	shalt  }
0x87: {  	_ =	shalt  }
.Lfunc_end0:
.L_simem_size_0:
called_computation.1_lowered:
.L_overlay_start_0:
0x88: {  	s2 =	sld [smem:$0x3FD9]  }
0x89: {  	s3 =	sld [smem:$0x3FFE];
	_ =	sdelay $0x1  }
0x8a: {  	s1 =	srdreg.scid  }
0x8b: {  	s0 =	sand.u32 $0x1, s1  }
0x8c: {  	s17 =	sshll.u32 s0, $0xA;
	s2 =	sadd.s32 s3, s2  }
0x8d: {  	s2 =	sadd.s32 s2, s17  }
0x8e: {  	[smem:$0x3FBD] =	sst s2  }
0x8f: {  	_ = 	snop  }
0x90: {  	s2 =	sld [smem:$0x3FD0];
	(tm) =	ssettm $0x1  }
0x91: {  	s18 =	sld [smem:$0x3FFB];
	_ =	sdelay $0x3  }
0x92: {  	_ =	strace s18  }
0x93: {  	s3 =	sld [smem:$0x3FFC];
	_ =	sdelay $0x3  }
0x94: {  	_ =	strace s3  }
0x95: {  	s3 =	sld [smem:$0x3FFD];
	_ =	sdelay $0x3  }
0x96: {  	_ =	strace s3  }
0x97: {  	_ =	strace $0x8FFFFFFF  }
0x98: {  	s19 =	sld [smem:$0x3FDB];
	_ =	sdelay $0x1  }
0x99: {  	s4 =	simm.s32 $_scs_section_size  }
0x9a: {  	s5 =	simm.s32 $_size__tile_overlayer_lowered;
	s6 =	simm.s32 $_tile_overlayer_lowered  }
0x9b: {  	s22 =	simm.s32 $0x1BFF;
	s21 =	sshll.u32 s6, $0x1;
	s3 =	sadd.s32 s4, s19  }
0x9c: {  	s7 =	simm.s32 $0x0;
	s20 =	sshll.u32 s5, $0x1;
	s5 =	sadd.s32 s21, s3  }
0x9d: {  	[timem:s7], [sflag:s22] =	dma.local [hbm:s5], s20  }
0x9e: {  	_ =	swait.ge [sflag:s22], s20  }
0x9f: {  	s4 =	ssub.s32 $0x0, s20;
	[sflag:s22] =	ssyncset.done $0x0  }
0xa0: {  	[sflag:s22] =	ssyncadd.s32 s4;
	_ =	sdelay $0x1  }
0xa1: {  	s23 =	simm.s32 $0x1B8B  }
0xa2: {  	_ =	swait.ge [sflag:s23], $0x1  }
0xa3: {  	[sflag:s23] =	ssyncset.done $0x0  }
0xa4: {  	s25 =	simm.s32 $0x1B8E;
	s24 =	sld [smem:$0x3FFE];
	[sflag:s23] =	ssyncadd.s32 $0xFFFFFFFF  }
0xa5: {  	s26 =	simm.s32 $execute0_lowered;
	[smem:$0x3FD2] =	sst s25  }
0xa6: {  	s5 =	sshll.u32 s26, $0x1;
	_ =	strace $0x80000049;
	[dreg:$0x1] =	wrdreg $0xFFFFFFFF  }
0xa7: {  	s28 =	simm.s32 $_size_execute0_lowered;
	s3 =	sadd.s32 s3, s5;
	[dreg:$0x0] =	wrdreg $0x0  }
0xa8: {  	s5 =	sshll.u32 s28, $0x1;
	[dreg:$0x2] =	wrdreg s3  }
0xa9: {  	[dreg:$0x3] =	wrdreg s5  }
0xaa: {  	[dreg:$0x4] =	wrdreg $0xC0  }
0xab: {  	_ =	task [dreg:s7], $0x5FFFF  }
0xac: {  	[dreg:$0x1] =	wrdreg $0xFFFFFFFF  }
0xad: {  	[dreg:$0x0] =	wrdreg $0x60  }
0xae: {  	[dreg:$0x2] =	wrdreg s24  }
0xaf: {  	[dreg:$0x3] =	wrdreg s2  }
0xb0: {  	[dreg:$0x4] =	wrdreg $0x41000  }
0xb1: {  	[dreg:$0x5] =	wrdreg $0x9  }
0xb2: {  	_ =	task.clear_ibuf [dreg:s7], $0x6FFFF;
	_ =	strace $0x90000049  }
0xb3: {  	s29 =	simm.s32 $0x9;
	_ =	strace $0x8000004B  }
0xb4: {  	_ =	swait.ge [sflag:s29], $0x1  }
0xb5: {  	[sflag:s29] =	ssyncadd.s32 $0xFFFFFFFF  }
0xb6: {  	_ =	strace $0x9000004B  }
0xb7: {  	_ =	sfence  }
0xb8: {  	s30 =	sld [smem:$0x0];
	_ =	sdelay $0x2  }
0xb9: {  	s31 =	sshll.u32 s1, $0xD;
	s1 =	sshrl.u32 s1, $0x2  }
0xba: {  	s3 =	sand.u32 $0x4000, s31;
	s1 =	sadd.s32 s1, s30  }
0xbb: {  	s0 =	sor.u32 s3, s0;
	s1 =	sshll.u32 s1, $0x11  }
0xbc: {  	s0 =	sor.u32 s1, s0  }
0xbd: {  	s0 =	sadd.s32 $0x8F2B, s0  }
0xbe: {  	[sflag:s0] =	ssyncadd.remote.s32 $0x1  }
0xbf: {  	_ =	sfence.sel $0xFFFF  }
0xc0: {  	[dreg:$0x0] =	wrdreg $0xFFFFFFFF;
	(pc) =	sbr.abs _section_cstart, $3  }
0xc1: {  	[dreg:$0x1] =	wrdreg $0xFFFFFFFF  }
0xc2: {  	_ =	task.clear_ibuf [dreg:s7], $0x2FFFF;
	_ =	strace $0x9FFFFFFF  }
0xc3: {  	(tm) =	ssettm $0x7FFFFFFF  }
tec
execute0_lowered:
.L_overlay_start_1:
0x0: {  	(tag) =	ssettag $0x1  }
0x1: {  	s5 =	rddreg [dreg:$0x0]  }
0x2: {  	s8 =	rddreg [dreg:$0x1]  }
0x3: {  	s0 =	srdreg.scid;
	s1 =	stileid.u32  }
0x4: {  	s2 =	rddreg [dreg:$0x2];
	s7 =	smul.u32 $0x14000, s1  }
0x5: {  	s3 =	simm.s32 $0x0;
	s15 =	simm.s32 $0x1;
	s13 =	smul.u32 $0x50000, s1  }
0x6: {  	s6 =	sand.u32 $0x1, s0;
	s0 =	rddreg [dreg:$0x3];
	s30 =	smul.u32 $0x4F0, s1  }
0x7: {  	s16 =	simm.s32 $0x0;
	[smem:$0x7FF] =	sst s3;
	s9 =	smul.u32 $0x4F00, s6  }
0x8: {  	s4 =	sadd.s32 $0xC800, s5;
	s29 =	sshll.u32 s1, $0x6;
	s10 =	smul.u32 $0x140000, s6  }
0x9: {  	_ =	strace $0x8000004A;
	s6 =	ssub.s32 $0x2, s6;
	s12 =	sshrl.u32 s7, $0x3  }
0xa: {  	s26 =	sshrl.u32 s6, $0x1;
	s28 =	sshrl.u32 s13, $0x2;
	s13 =	simm.s32 $0x80  }
0xb: {  	s11 =	sadd.s32 s9, s5;
	s7 =	sadd.s32 s7, s10;
	s12 =	sadd.s32 s12, s5  }
0xc: {  	s10 =	ssub.s32 s6, s26;
	s14 =	sadd.s32 s28, s2;
	s6 =	sor.u32 $0x1C02, s29  }
0xd: {  	s31 =	sadd.s32 s9, s8;
	s7 =	sshrl.u32 s7, $0x3;
	s11 =	sadd.s32 s30, s11  }
0xe: {  	s8 =	smax.u32 s10, $0x1;
	s10 =	sadd.s32 s30, s31;
	s7 =	sadd.s32 s7, s5  }
0xf: {  	s5 =	sadd.s32 $0x34E00, s12;
	s9 =	sadd.s32 $0x2A00, s11;
	s11 =	sshrl.u32 s14, $0x3  }
0x10: {  	s12 =	simm.s32 $0x2;
	s14 =	simm.s32 $0x100;
	s7 =	sadd.s32 $0x5CE00, s7  }
.LBB2_1:
0x11: {  	[spmem:s11], [sflag:s6] =	dma.local [hbm:s5], $0x2800  }
0x12: {  	_ =	swait.ge [sflag:s12], $0x2800  }
0x13: {  	[sflag:s12] =	ssyncset.done $0x0  }
0x14: {  	[sflag:s12] =	ssyncadd.s32 $0xFFFFD800  }
0x15: {  	s17 =	sadd.s32 $0x0, s10;
	[bflag:$0x0] =	sbarrier.arrive $0xFFFF  }
0x16: {  	[tilespmem:s3], [sflag:$0x2] =	stream.linear.gather [hbm4b:s17+s3], $0x80, $0x38;
	[tilespmem:$0x18100] =	vst v63  }
0x17: {  	_ =	swait.ge [sflag:s12], $0x80  }
0x18: {  	[sflag:s12] =	ssyncset.done $0x0  }
0x19: {  	s31 =	sadd.s32 $0x0, s9;
	[sflag:s12] =	ssyncadd.s32 $0xFFFFFF80  }
0x1a: {  	[tilespmem:s13], [sflag:$0x2] =	stream.linear.gather [hbm4b:s31+s3], $0x80, $0x38;
	[tilespmem:$0x18100] =	vst v63  }
0x1b: {  	_ =	swait.ge [sflag:s12], $0x80  }
0x1c: {  	[sflag:s12] =	ssyncset.done $0x0  }
0x1d: {  	[sflag:s12] =	ssyncadd.s32 $0xFFFFFF80  }
0x1e: {  	[tilespmem:s14], [sflag:$0x1] =	stream.indirect.gather [hbm4b:s4+s13], $0x80, s3, s13, $0xb8;
	[tilespmem:$0x18100] =	vst v63  }
0x1f: {  	_ =	swait.ge [sflag:s15], $0x4000  }
0x20: {  	[sflag:s15] =	ssyncset.done $0x0  }
0x21: {  	[sflag:s15] =	ssyncadd.s32 $0xFFFFC000  }
0x22: {  	[spmem:s2] =	stream.indirect.scatter.add.f32 [tilespmem:s14], [sflag:$0x2], $0x80, s13, s13, $0xb8;
	[tilespmem:$0x18100] =	vst v63  }
0x23: {  	_ =	swait.ge [sflag:s12], $0x4000  }
0x24: {  	s18 =	simm.s32 $0x20;
	s17 =	simm.s32 $0x10;
	[sflag:s12] =	ssyncset.done $0x0  }
.LBB2_2:
0x25: {  	s19 =	sadd.s32 s17, s10  }
0x26: {  	[sflag:s12] =	ssyncadd.s32 $0xFFFFC000;
	s20 =	smov.u32 s18;
	s21 =	sadd.s32 $0x10, s18  }
0x27: {  	[tilespmem:s3], [sflag:$0x2] =	stream.linear.gather [hbm4b:s19+s3], $0x80, $0x38;
	[tilespmem:$0x18100] =	vst v63  }
0x28: {  	p0 =	sne.s32 s18, $0x4E0;
	_ =	swait.ge [sflag:s12], $0x80  }
0x29: {  	[sflag:s12] =	ssyncset.done $0x0  }
0x2a: {  	s18 =	sadd.s32 s17, s9;
	s17 =	smov.u32 s20;
	[sflag:s12] =	ssyncadd.s32 $0xFFFFFF80  }
0x2b: {  	[tilespmem:s13], [sflag:$0x2] =	stream.linear.gather [hbm4b:s18+s3], $0x80, $0x38;
	[tilespmem:$0x18100] =	vst v63  }
0x2c: {  	_ =	swait.ge [sflag:s12], $0x80  }
0x2d: {  	[sflag:s12] =	ssyncset.done $0x0  }
0x2e: {  	[sflag:s12] =	ssyncadd.s32 $0xFFFFFF80  }
0x2f: {  	[tilespmem:s14], [sflag:$0x1] =	stream.indirect.gather [hbm4b:s4+s13], $0x80, s3, s13, $0xb8;
	[tilespmem:$0x18100] =	vst v63  }
0x30: {  	_ =	swait.ge [sflag:s15], $0x4000  }
.Ltmp0:
0x31: {  	[sflag:s15] =	ssyncset.done $0x0;
	(pc) =	sbr.rel @p0 .LBB2_2-.Ltmp0, $4  }
0x32: {  	[sflag:s15] =	ssyncadd.s32 $0xFFFFC000  }
0x33: {  	[spmem:s2] =	stream.indirect.scatter.add.f32 [tilespmem:s14], [sflag:$0x2], $0x80, s13, s13, $0xb8;
	[tilespmem:$0x18100] =	vst v63  }
0x34: {  	_ =	swait.ge [sflag:s12], $0x4000  }
0x35: {  	s18 =	smov.u32 s21;
	[sflag:s12] =	ssyncset.done $0x0  }
0x36: {  	s18 =	sadd.s32 s17, s10;
	[sflag:s12] =	ssyncadd.s32 $0xFFFFC000  }
0x37: {  	[tilespmem:s3], [sflag:$0x2] =	stream.linear.gather [hbm4b:s18+s3], $0x80, $0x38;
	[tilespmem:$0x18100] =	vst v63  }
0x38: {  	_ =	swait.ge [sflag:s12], $0x80  }
0x39: {  	[sflag:s12] =	ssyncset.done $0x0  }
0x3a: {  	s31 =	sadd.s32 s17, s9;
	[sflag:s12] =	ssyncadd.s32 $0xFFFFFF80  }
0x3b: {  	[tilespmem:s13], [sflag:$0x2] =	stream.linear.gather [hbm4b:s31+s3], $0x80, $0x38;
	[tilespmem:$0x18100] =	vst v63  }
0x3c: {  	_ =	swait.ge [sflag:s12], $0x80  }
0x3d: {  	[sflag:s12] =	ssyncset.done $0x0  }
0x3e: {  	[sflag:s12] =	ssyncadd.s32 $0xFFFFFF80  }
0x3f: {  	[tilespmem:s14], [sflag:$0x1] =	stream.indirect.gather [hbm4b:s4+s13], $0x80, s3, s13, $0xb8;
	[tilespmem:$0x18100] =	vst v63  }
0x40: {  	_ =	swait.ge [sflag:s15], $0x4000  }
0x41: {  	[sflag:s15] =	ssyncset.done $0x0  }
0x42: {  	[sflag:s15] =	ssyncadd.s32 $0xFFFFC000  }
0x43: {  	[spmem:s2] =	stream.indirect.scatter.add.f32 [tilespmem:s14], [sflag:$0x2], $0x80, s13, s13, $0xb8;
	[tilespmem:$0x18100] =	vst v63  }
0x44: {  	_ =	swait.ge [sflag:s12], $0x4000  }
0x45: {  	s16 =	sadd.s32 $0x1, s16;
	[sflag:s12] =	ssyncset.done $0x0  }
0x46: {  	p0 =	sne.s32 s16, s8;
	[sflag:s12] =	ssyncadd.s32 $0xFFFFC000  }
.Ltmp1:
0x47: {  	[bflag:$0x0] =	sbarrier.arrive $0xFFFF;
	(pc) =	sbr.rel @p0 .LBB2_1-.Ltmp1, $4  }
0x48: {  	[hbm:s7], [sflag:s6] =	dma.local [spmem:s11], $0x2800  }
0x49: {  	_ =	swait.ge [sflag:s12], $0x2800  }
0x4a: {  	[sflag:s12] =	ssyncset.done $0x0  }
0x4b: {  	[sflag:s12] =	ssyncadd.s32 $0xFFFFD800  }
0x4c: {  	_ =	sfence.sel $0x180000  }
0x4d: {  	[bflag:$0x0] =	sbarrier.arrive $0xFFFF  }
0x4e: {  	p0 =	sne.s32 s1, $0x0;
	_ =	strace $0x9000004A  }
0x4f: {  	s0 =	sadd.s32 @!p0 $0x100000, s0;
	[bflag:$0x2] =	sbarrier.arrive $0xFFFF  }
0x50: {  	[sflag:s0] =	ssyncadd.tile.s32 @!p0 $0x1;
	_ =	shalt  }
.Lfunc_end2:
_tile_overlayer_lowered:
.L_overlay_start_2:
0x51: {  	(tag) =	ssettag $0x2  }
0x52: {  	s0 =	rddreg [dreg:$0x0];
	s2 =	stileid.u32  }
0x53: {  	s1 =	rddreg [dreg:$0x1];
	p0 =	sne.s32 s2, $0x0  }
0x54: {  	s3 =	rddreg [dreg:$0x2];
	[bflag:$0x3] =	sbarrier.arrive $0xFFFF;
	s2 =	simm.s32 @!p0 $0x1C02  }
0x55: {  	[timem:s3], [sflag:s2] =	dma.local @!p0 [hbm:s0], s1  }
0x56: {  	s0 =	simm.s32 @!p0 $0x2  }
0x57: {  	_ =	swait.ge @!p0 [sflag:s0], s1  }
0x58: {  	s1 =	ssub.s32 @!p0 $0x0, s1;
	[sflag:s0] =	ssyncset.done @!p0 $0x0  }
0x59: {  	[sflag:s0] =	ssyncadd.s32 @!p0 s1  }
0x5a: {  	[bflag:$0x3] =	sbarrier.arrive $0xFFFF  }
0x5b: {  	_ =	shalt  }

// kernel: sc_segment_sum.7.cloned.1.call-start
scs
__scs_entry_jumppad:
0x0: {  	(pc) =	sbr.rel $0x88, $3  }
0x1: {  	(tag) =	ssettag $0x0;
	lr =	simm.s32 $0x1  }
0x2: {  	[smem:$0x3F96] =	sst lr;
	_ =	strace $0xD0000000  }
0x3: {  	_ = 	snop  }
0x4: {  	_ = 	snop  }
0x5: {  	_ = 	snop  }
0x6: {  	_ = 	snop  }
0x7: {  	_ = 	snop  }
__scs_overlays_trampoline_lowered:
0x8: {  	[smem:$0x3FA5] =	sst s0  }
0x9: {  	[smem:$0x3FA6] =	sst s1  }
0xa: {  	[smem:$0x3FA7] =	sst s2  }
0xb: {  	[smem:$0x3FA8] =	sst s3  }
0xc: {  	[smem:$0x3FA9] =	sst s4  }
0xd: {  	[smem:$0x3FAA] =	sst s5  }
0xe: {  	[smem:$0x3FAB] =	sst s6  }
0xf: {  	[smem:$0x3FAC] =	sst s7  }
0x10: {  	[smem:$0x3FAD] =	sst s8  }
0x11: {  	[smem:$0x3FAE] =	sst s9;
	s0 =	simm.s32 @!p0 $0x0  }
0x12: {  	s1 =	sld [smem:$0x3F94];
	s0 =	simm.s32 @p0 $0x1  }
0x13: {  	[smem:$0x3FAF] =	sst s0;
	s0 =	simm.s32 @!p1 $0x0  }
0x14: {  	s2 =	sld [smem:$0x3F93];
	s0 =	simm.s32 @p1 $0x1  }
0x15: {  	[smem:$0x3FB0] =	sst s0;
	s0 =	simm.s32 @!p2 $0x0  }
0x16: {  	s3 =	sld [smem:$0x3FDB];
	s0 =	simm.s32 @p2 $0x1  }
0x17: {  	s4 =	simm.s32 $0x1BF5;
	[smem:$0x3FB2] =	sst s0  }
0x18: {  	s0 =	sld [smem:$0x3F95];
	_ =	swait.ge [sflag:s4], $0x0  }
0x19: {  	s7 =	sld [smem:$0x3F96]  }
0x1a: {  	s8 =	sadd.s32 $0xFFFFE003, lr  }
0x1b: {  	s9 =	sadd.s32 $0xFFFFFEF7, lr;
	s5 =	simm.s32 $0xFFFFFFFF;
	p2 =	slt.u32 s8, $0xFFFFF086  }
0x1c: {  	p1 =	slt.u32 s9, $0xF7A;
	s5 =	simm.s32 @!p2 $0x0  }
0x1d: {  	s5 =	simm.s32 @p1 $0x1;
	p0 =	seq.s32 s7, s2  }
0x1e: {  	s7 =	smul.u32 @!p0 $0xF7A, s2;
	p2 =	seq.s32 @!p0 s5, $0x0  }
0x1f: {  	s9 =	smul.u32 $0xF7A, s1;
	s8 =	simm.s32 @!p0 $0x1BF5;
	p2 =	por !p2, p0  }
0x20: {  	[sflag:s8] =	ssyncset.s32 @!p0 $0xFFFFF086;
	s6 =	sadd.s32 @!p0 s3, s7;
	s7 =	simm.s32 @!p0 $0x108  }
0x21: {  	s3 =	sadd.s32 s3, s9;
	s6 =	sadd.s32 @!p0 $0x88, s6;
	s7 =	simm.s32 @p2 $0x1082  }
0x22: {  	[simem:s7], [sflag:s8] =	dma.local @!p0 [hbm:s6], $0xF7A  }
0x23: {  	s9 =	sor.u32 $0xD0000000, s2;
	s6 =	simm.s32 $0x108;
	_ =	swait.ge @!p0 [sflag:s8], $0x0  }
0x24: {  	s3 =	sadd.s32 $0x88, s3;
	s6 =	simm.s32 @!p1 $0x1082;
	[sflag:s4] =	ssyncset.s32 $0xFFFFF086  }
0x25: {  	[simem:s6], [sflag:s4] =	dma.local [hbm:s3], $0xF7A  }
0x26: {  	[smem:$0x3F96] =	sst s1;
	(tag) =	ssettag s2;
	_ =	strace s9  }
0x27: {  	s1 =	sld [smem:$0x3FA6]  }
0x28: {  	s2 =	sld [smem:$0x3FA7]  }
0x29: {  	s4 =	sld [smem:$0x3FA9]  }
0x2a: {  	p0 =	seq.s32 s5, $0x0;
	s5 =	sld [smem:$0x3FAA]  }
0x2b: {  	s6 =	sld [smem:$0x3FAB]  }
0x2c: {  	s7 =	sld [smem:$0x3FAC]  }
0x2d: {  	s3 =	simm.s32 $0x108;
	s8 =	sld [smem:$0x3FAD]  }
0x2e: {  	s3 =	simm.s32 @!p0 $0x1082;
	s9 =	sld [smem:$0x3FAE]  }
0x2f: {  	lr =	sadd.s32 s0, s3;
	s0 =	sld [smem:$0x3FA5]  }
0x30: {  	s3 =	sld [smem:$0x3FA8]  }
0x31: {  	[smem:$0x3FB1] =	sst s10  }
0x32: {  	s10 =	sld [smem:$0x3FAF];
	_ =	sdelay $0x3  }
0x33: {  	p0 =	seq.s32 s10, $0x1;
	s10 =	sld [smem:$0x3FB1];
	_ =	sdelay $0x3  }
0x34: {  	[smem:$0x3FB1] =	sst s10  }
0x35: {  	s10 =	sld [smem:$0x3FB0];
	_ =	sdelay $0x3  }
0x36: {  	p1 =	seq.s32 s10, $0x1;
	s10 =	sld [smem:$0x3FB1];
	_ =	sdelay $0x3  }
0x37: {  	[smem:$0x3FB1] =	sst s10  }
0x38: {  	s10 =	sld [smem:$0x3FB2]  }
0x39: {  	_ = 	snop;
	(pc) =	sbr.ind lr, $3  }
0x3a: {  	_ = 	snop  }
0x3b: {  	_ = 	snop  }
0x3c: {  	p2 =	seq.s32 s10, $0x1;
	s10 =	sld [smem:$0x3FB1]  }
0x3d: {  	_ =	shalt  }
0x3e: {  	_ =	shalt  }
0x3f: {  	_ =	shalt  }
0x40: {  	_ =	shalt  }
0x41: {  	_ =	shalt  }
0x42: {  	_ =	shalt  }
0x43: {  	_ =	shalt  }
0x44: {  	_ =	shalt  }
0x45: {  	_ =	shalt  }
0x46: {  	_ =	shalt  }
0x47: {  	_ =	shalt  }
0x48: {  	_ =	shalt  }
0x49: {  	_ =	shalt  }
0x4a: {  	_ =	shalt  }
0x4b: {  	_ =	shalt  }
0x4c: {  	_ =	shalt  }
0x4d: {  	_ =	shalt  }
0x4e: {  	_ =	shalt  }
0x4f: {  	_ =	shalt  }
0x50: {  	_ =	shalt  }
0x51: {  	_ =	shalt  }
0x52: {  	_ =	shalt  }
0x53: {  	_ =	shalt  }
0x54: {  	_ =	shalt  }
0x55: {  	_ =	shalt  }
0x56: {  	_ =	shalt  }
0x57: {  	_ =	shalt  }
0x58: {  	_ =	shalt  }
0x59: {  	_ =	shalt  }
0x5a: {  	_ =	shalt  }
0x5b: {  	_ =	shalt  }
0x5c: {  	_ =	shalt  }
0x5d: {  	_ =	shalt  }
0x5e: {  	_ =	shalt  }
0x5f: {  	_ =	shalt  }
0x60: {  	_ =	shalt  }
0x61: {  	_ =	shalt  }
0x62: {  	_ =	shalt  }
0x63: {  	_ =	shalt  }
0x64: {  	_ =	shalt  }
0x65: {  	_ =	shalt  }
0x66: {  	_ =	shalt  }
0x67: {  	_ =	shalt  }
0x68: {  	_ =	shalt  }
0x69: {  	_ =	shalt  }
0x6a: {  	_ =	shalt  }
0x6b: {  	_ =	shalt  }
0x6c: {  	_ =	shalt  }
0x6d: {  	_ =	shalt  }
0x6e: {  	_ =	shalt  }
0x6f: {  	_ =	shalt  }
0x70: {  	_ =	shalt  }
0x71: {  	_ =	shalt  }
0x72: {  	_ =	shalt  }
0x73: {  	_ =	shalt  }
0x74: {  	_ =	shalt  }
0x75: {  	_ =	shalt  }
0x76: {  	_ =	shalt  }
0x77: {  	_ =	shalt  }
0x78: {  	_ =	shalt  }
0x79: {  	_ =	shalt  }
0x7a: {  	_ =	shalt  }
0x7b: {  	_ =	shalt  }
0x7c: {  	_ =	shalt  }
0x7d: {  	_ =	shalt  }
0x7e: {  	_ =	shalt  }
0x7f: {  	_ =	shalt  }
0x80: {  	_ =	shalt  }
0x81: {  	_ =	shalt  }
0x82: {  	_ =	shalt  }
0x83: {  	_ =	shalt  }
0x84: {  	_ =	shalt  }
0x85: {  	_ =	shalt  }
0x86: {  	_ =	shalt  }
0x87: {  	_ =	shalt  }
.Lfunc_end0:
.L_simem_size_0:
called_computation.2_lowered:
.L_overlay_start_0:
0x88: {  	s2 =	sld [smem:$0x3FD9]  }
0x89: {  	s3 =	sld [smem:$0x3FFE];
	_ =	sdelay $0x1  }
0x8a: {  	s1 =	srdreg.scid  }
0x8b: {  	s0 =	sand.u32 $0x1, s1  }
0x8c: {  	s17 =	sshll.u32 s0, $0xA;
	s2 =	sadd.s32 s3, s2  }
0x8d: {  	s2 =	sadd.s32 s2, s17  }
0x8e: {  	[smem:$0x3FBD] =	sst s2  }
0x8f: {  	_ = 	snop  }
0x90: {  	s2 =	sld [smem:$0x3FD0];
	(tm) =	ssettm $0x1  }
0x91: {  	s18 =	sld [smem:$0x3FFB];
	_ =	sdelay $0x3  }
0x92: {  	_ =	strace s18  }
0x93: {  	s3 =	sld [smem:$0x3FFC];
	_ =	sdelay $0x3  }
0x94: {  	_ =	strace s3  }
0x95: {  	s3 =	sld [smem:$0x3FFD];
	_ =	sdelay $0x3  }
0x96: {  	_ =	strace s3  }
0x97: {  	_ =	strace $0x8FFFFFFF  }
0x98: {  	s19 =	sld [smem:$0x3FDB];
	_ =	sdelay $0x1  }
0x99: {  	s4 =	simm.s32 $_scs_section_size  }
0x9a: {  	s5 =	simm.s32 $_size__tile_overlayer_lowered;
	s6 =	simm.s32 $_tile_overlayer_lowered  }
0x9b: {  	s22 =	simm.s32 $0x1BFF;
	s21 =	sshll.u32 s6, $0x1;
	s3 =	sadd.s32 s4, s19  }
0x9c: {  	s7 =	simm.s32 $0x0;
	s20 =	sshll.u32 s5, $0x1;
	s5 =	sadd.s32 s21, s3  }
0x9d: {  	[timem:s7], [sflag:s22] =	dma.local [hbm:s5], s20  }
0x9e: {  	_ =	swait.ge [sflag:s22], s20  }
0x9f: {  	s4 =	ssub.s32 $0x0, s20;
	[sflag:s22] =	ssyncset.done $0x0  }
0xa0: {  	[sflag:s22] =	ssyncadd.s32 s4;
	_ =	sdelay $0x1  }
0xa1: {  	s23 =	simm.s32 $0x1B8B  }
0xa2: {  	_ =	swait.ge [sflag:s23], $0x1  }
0xa3: {  	[sflag:s23] =	ssyncset.done $0x0  }
0xa4: {  	s25 =	simm.s32 $0x1B8E;
	s24 =	sld [smem:$0x3FFE];
	[sflag:s23] =	ssyncadd.s32 $0xFFFFFFFF  }
0xa5: {  	s26 =	simm.s32 $execute0_lowered;
	[smem:$0x3FD2] =	sst s25  }
0xa6: {  	s5 =	sshll.u32 s26, $0x1;
	_ =	strace $0x8000004C;
	[dreg:$0x1] =	wrdreg $0xFFFFFFFF  }
0xa7: {  	s28 =	simm.s32 $_size_execute0_lowered;
	s3 =	sadd.s32 s3, s5;
	[dreg:$0x0] =	wrdreg $0x0  }
0xa8: {  	s5 =	sshll.u32 s28, $0x1;
	[dreg:$0x2] =	wrdreg s3  }
0xa9: {  	[dreg:$0x3] =	wrdreg s5  }
0xaa: {  	[dreg:$0x4] =	wrdreg $0xC0  }
0xab: {  	_ =	task [dreg:s7], $0x5FFFF  }
0xac: {  	[dreg:$0x1] =	wrdreg $0xFFFFFFFF  }
0xad: {  	[dreg:$0x0] =	wrdreg $0x60  }
0xae: {  	[dreg:$0x2] =	wrdreg s24  }
0xaf: {  	[dreg:$0x3] =	wrdreg s2  }
0xb0: {  	[dreg:$0x4] =	wrdreg $0x41000  }
0xb1: {  	[dreg:$0x5] =	wrdreg $0x9  }
0xb2: {  	_ =	task.clear_ibuf [dreg:s7], $0x6FFFF;
	_ =	strace $0x9000004C  }
0xb3: {  	s29 =	simm.s32 $0x9;
	_ =	strace $0x8000004E  }
0xb4: {  	_ =	swait.ge [sflag:s29], $0x1  }
0xb5: {  	[sflag:s29] =	ssyncadd.s32 $0xFFFFFFFF  }
0xb6: {  	_ =	strace $0x9000004E  }
0xb7: {  	_ =	sfence  }
0xb8: {  	s30 =	sld [smem:$0x0];
	_ =	sdelay $0x2  }
0xb9: {  	s31 =	sshll.u32 s1, $0xD;
	s1 =	sshrl.u32 s1, $0x2  }
0xba: {  	s3 =	sand.u32 $0x4000, s31;
	s1 =	sadd.s32 s1, s30  }
0xbb: {  	s0 =	sor.u32 s3, s0;
	s1 =	sshll.u32 s1, $0x11  }
0xbc: {  	s0 =	sor.u32 s1, s0  }
0xbd: {  	s0 =	sadd.s32 $0x8F2B, s0  }
0xbe: {  	[sflag:s0] =	ssyncadd.remote.s32 $0x1  }
0xbf: {  	_ =	sfence.sel $0xFFFF  }
0xc0: {  	[dreg:$0x0] =	wrdreg $0xFFFFFFFF;
	(pc) =	sbr.abs _section_cstart, $3  }
0xc1: {  	[dreg:$0x1] =	wrdreg $0xFFFFFFFF  }
0xc2: {  	_ =	task.clear_ibuf [dreg:s7], $0x2FFFF;
	_ =	strace $0x9FFFFFFF  }
0xc3: {  	(tm) =	ssettm $0x7FFFFFFF  }
tec
execute0_lowered:
.L_overlay_start_1:
0x0: {  	(tag) =	ssettag $0x1  }
0x1: {  	s5 =	rddreg [dreg:$0x0]  }
0x2: {  	s8 =	rddreg [dreg:$0x1]  }
0x3: {  	s0 =	srdreg.scid;
	s1 =	stileid.u32  }
0x4: {  	s2 =	rddreg [dreg:$0x2];
	s7 =	smul.u32 $0x14000, s1  }
0x5: {  	s3 =	simm.s32 $0x0;
	s15 =	simm.s32 $0x1;
	s13 =	smul.u32 $0x50000, s1  }
0x6: {  	s6 =	sand.u32 $0x1, s0;
	s0 =	rddreg [dreg:$0x3];
	s30 =	smul.u32 $0x4F0, s1  }
0x7: {  	s16 =	simm.s32 $0x0;
	[smem:$0x7FF] =	sst s3;
	s9 =	smul.u32 $0x4F00, s6  }
0x8: {  	s4 =	sadd.s32 $0xC800, s5;
	s29 =	sshll.u32 s1, $0x6;
	s10 =	smul.u32 $0x140000, s6  }
0x9: {  	_ =	strace $0x8000004D;
	s6 =	ssub.s32 $0x2, s6;
	s12 =	sshrl.u32 s7, $0x3  }
0xa: {  	s26 =	sshrl.u32 s6, $0x1;
	s28 =	sshrl.u32 s13, $0x2;
	s13 =	simm.s32 $0x80  }
0xb: {  	s11 =	sadd.s32 s9, s5;
	s7 =	sadd.s32 s7, s10;
	s12 =	sadd.s32 s12, s5  }
0xc: {  	s10 =	ssub.s32 s6, s26;
	s14 =	sadd.s32 s28, s2;
	s6 =	sor.u32 $0x1C02, s29  }
0xd: {  	s31 =	sadd.s32 s9, s8;
	s7 =	sshrl.u32 s7, $0x3;
	s11 =	sadd.s32 s30, s11  }
0xe: {  	s8 =	smax.u32 s10, $0x1;
	s10 =	sadd.s32 s30, s31;
	s7 =	sadd.s32 s7, s5  }
0xf: {  	s5 =	sadd.s32 $0x34E00, s12;
	s9 =	sadd.s32 $0x2A00, s11;
	s11 =	sshrl.u32 s14, $0x3  }
0x10: {  	s12 =	simm.s32 $0x2;
	s14 =	simm.s32 $0x100;
	s7 =	sadd.s32 $0x5CE00, s7  }
.LBB2_1:
0x11: {  	[spmem:s11], [sflag:s6] =	dma.local [hbm:s5], $0x2800  }
0x12: {  	_ =	swait.ge [sflag:s12], $0x2800  }
0x13: {  	[sflag:s12] =	ssyncset.done $0x0  }
0x14: {  	[sflag:s12] =	ssyncadd.s32 $0xFFFFD800  }
0x15: {  	s17 =	sadd.s32 $0x0, s10;
	[bflag:$0x0] =	sbarrier.arrive $0xFFFF  }
0x16: {  	[tilespmem:s3], [sflag:$0x2] =	stream.linear.gather [hbm4b:s17+s3], $0x80, $0x38;
	[tilespmem:$0x18100] =	vst v63  }
0x17: {  	_ =	swait.ge [sflag:s12], $0x80  }
0x18: {  	[sflag:s12] =	ssyncset.done $0x0  }
0x19: {  	s31 =	sadd.s32 $0x0, s9;
	[sflag:s12] =	ssyncadd.s32 $0xFFFFFF80  }
0x1a: {  	[tilespmem:s13], [sflag:$0x2] =	stream.linear.gather [hbm4b:s31+s3], $0x80, $0x38;
	[tilespmem:$0x18100] =	vst v63  }
0x1b: {  	_ =	swait.ge [sflag:s12], $0x80  }
0x1c: {  	[sflag:s12] =	ssyncset.done $0x0  }
0x1d: {  	[sflag:s12] =	ssyncadd.s32 $0xFFFFFF80  }
0x1e: {  	[tilespmem:s14], [sflag:$0x1] =	stream.indirect.gather [hbm4b:s4+s13], $0x80, s3, s13, $0xb8;
	[tilespmem:$0x18100] =	vst v63  }
0x1f: {  	_ =	swait.ge [sflag:s15], $0x4000  }
0x20: {  	[sflag:s15] =	ssyncset.done $0x0  }
0x21: {  	[sflag:s15] =	ssyncadd.s32 $0xFFFFC000  }
0x22: {  	[spmem:s2] =	stream.indirect.scatter.add.f32 [tilespmem:s14], [sflag:$0x2], $0x80, s13, s13, $0xb8;
	[tilespmem:$0x18100] =	vst v63  }
0x23: {  	_ =	swait.ge [sflag:s12], $0x4000  }
0x24: {  	s18 =	simm.s32 $0x20;
	s17 =	simm.s32 $0x10;
	[sflag:s12] =	ssyncset.done $0x0  }
.LBB2_2:
0x25: {  	s19 =	sadd.s32 s17, s10  }
0x26: {  	[sflag:s12] =	ssyncadd.s32 $0xFFFFC000;
	s20 =	smov.u32 s18;
	s21 =	sadd.s32 $0x10, s18  }
0x27: {  	[tilespmem:s3], [sflag:$0x2] =	stream.linear.gather [hbm4b:s19+s3], $0x80, $0x38;
	[tilespmem:$0x18100] =	vst v63  }
0x28: {  	p0 =	sne.s32 s18, $0x4E0;
	_ =	swait.ge [sflag:s12], $0x80  }
0x29: {  	[sflag:s12] =	ssyncset.done $0x0  }
0x2a: {  	s18 =	sadd.s32 s17, s9;
	s17 =	smov.u32 s20;
	[sflag:s12] =	ssyncadd.s32 $0xFFFFFF80  }
0x2b: {  	[tilespmem:s13], [sflag:$0x2] =	stream.linear.gather [hbm4b:s18+s3], $0x80, $0x38;
	[tilespmem:$0x18100] =	vst v63  }
0x2c: {  	_ =	swait.ge [sflag:s12], $0x80  }
0x2d: {  	[sflag:s12] =	ssyncset.done $0x0  }
0x2e: {  	[sflag:s12] =	ssyncadd.s32 $0xFFFFFF80  }
0x2f: {  	[tilespmem:s14], [sflag:$0x1] =	stream.indirect.gather [hbm4b:s4+s13], $0x80, s3, s13, $0xb8;
	[tilespmem:$0x18100] =	vst v63  }
0x30: {  	_ =	swait.ge [sflag:s15], $0x4000  }
.Ltmp0:
0x31: {  	[sflag:s15] =	ssyncset.done $0x0;
	(pc) =	sbr.rel @p0 .LBB2_2-.Ltmp0, $4  }
0x32: {  	[sflag:s15] =	ssyncadd.s32 $0xFFFFC000  }
0x33: {  	[spmem:s2] =	stream.indirect.scatter.add.f32 [tilespmem:s14], [sflag:$0x2], $0x80, s13, s13, $0xb8;
	[tilespmem:$0x18100] =	vst v63  }
0x34: {  	_ =	swait.ge [sflag:s12], $0x4000  }
0x35: {  	s18 =	smov.u32 s21;
	[sflag:s12] =	ssyncset.done $0x0  }
0x36: {  	s18 =	sadd.s32 s17, s10;
	[sflag:s12] =	ssyncadd.s32 $0xFFFFC000  }
0x37: {  	[tilespmem:s3], [sflag:$0x2] =	stream.linear.gather [hbm4b:s18+s3], $0x80, $0x38;
	[tilespmem:$0x18100] =	vst v63  }
0x38: {  	_ =	swait.ge [sflag:s12], $0x80  }
0x39: {  	[sflag:s12] =	ssyncset.done $0x0  }
0x3a: {  	s31 =	sadd.s32 s17, s9;
	[sflag:s12] =	ssyncadd.s32 $0xFFFFFF80  }
0x3b: {  	[tilespmem:s13], [sflag:$0x2] =	stream.linear.gather [hbm4b:s31+s3], $0x80, $0x38;
	[tilespmem:$0x18100] =	vst v63  }
0x3c: {  	_ =	swait.ge [sflag:s12], $0x80  }
0x3d: {  	[sflag:s12] =	ssyncset.done $0x0  }
0x3e: {  	[sflag:s12] =	ssyncadd.s32 $0xFFFFFF80  }
0x3f: {  	[tilespmem:s14], [sflag:$0x1] =	stream.indirect.gather [hbm4b:s4+s13], $0x80, s3, s13, $0xb8;
	[tilespmem:$0x18100] =	vst v63  }
0x40: {  	_ =	swait.ge [sflag:s15], $0x4000  }
0x41: {  	[sflag:s15] =	ssyncset.done $0x0  }
0x42: {  	[sflag:s15] =	ssyncadd.s32 $0xFFFFC000  }
0x43: {  	[spmem:s2] =	stream.indirect.scatter.add.f32 [tilespmem:s14], [sflag:$0x2], $0x80, s13, s13, $0xb8;
	[tilespmem:$0x18100] =	vst v63  }
0x44: {  	_ =	swait.ge [sflag:s12], $0x4000  }
0x45: {  	s16 =	sadd.s32 $0x1, s16;
	[sflag:s12] =	ssyncset.done $0x0  }
0x46: {  	p0 =	sne.s32 s16, s8;
	[sflag:s12] =	ssyncadd.s32 $0xFFFFC000  }
.Ltmp1:
0x47: {  	[bflag:$0x0] =	sbarrier.arrive $0xFFFF;
	(pc) =	sbr.rel @p0 .LBB2_1-.Ltmp1, $4  }
0x48: {  	[hbm:s7], [sflag:s6] =	dma.local [spmem:s11], $0x2800  }
0x49: {  	_ =	swait.ge [sflag:s12], $0x2800  }
0x4a: {  	[sflag:s12] =	ssyncset.done $0x0  }
0x4b: {  	[sflag:s12] =	ssyncadd.s32 $0xFFFFD800  }
0x4c: {  	_ =	sfence.sel $0x180000  }
0x4d: {  	[bflag:$0x0] =	sbarrier.arrive $0xFFFF  }
0x4e: {  	p0 =	sne.s32 s1, $0x0;
	_ =	strace $0x9000004D  }
0x4f: {  	s0 =	sadd.s32 @!p0 $0x100000, s0;
	[bflag:$0x2] =	sbarrier.arrive $0xFFFF  }
0x50: {  	[sflag:s0] =	ssyncadd.tile.s32 @!p0 $0x1;
	_ =	shalt  }
.Lfunc_end2:
_tile_overlayer_lowered:
.L_overlay_start_2:
0x51: {  	(tag) =	ssettag $0x2  }
0x52: {  	s0 =	rddreg [dreg:$0x0];
	s2 =	stileid.u32  }
0x53: {  	s1 =	rddreg [dreg:$0x1];
	p0 =	sne.s32 s2, $0x0  }
0x54: {  	s3 =	rddreg [dreg:$0x2];
	[bflag:$0x3] =	sbarrier.arrive $0xFFFF;
	s2 =	simm.s32 @!p0 $0x1C02  }
0x55: {  	[timem:s3], [sflag:s2] =	dma.local @!p0 [hbm:s0], s1  }
0x56: {  	s0 =	simm.s32 @!p0 $0x2  }
0x57: {  	_ =	swait.ge @!p0 [sflag:s0], s1  }
0x58: {  	s1 =	ssub.s32 @!p0 $0x0, s1;
	[sflag:s0] =	ssyncset.done @!p0 $0x0  }
0x59: {  	[sflag:s0] =	ssyncadd.s32 @!p0 s1  }
0x5a: {  	[bflag:$0x3] =	sbarrier.arrive $0xFFFF  }
0x5b: {  	_ =	shalt  }

// kernel: sc_segment_sum_cnt.3.cloned.1.call-start
scs
__scs_entry_jumppad:
0x0: {  	(pc) =	sbr.rel $0x88, $3  }
0x1: {  	(tag) =	ssettag $0x0;
	lr =	simm.s32 $0x1  }
0x2: {  	[smem:$0x3F96] =	sst lr;
	_ =	strace $0xD0000000  }
0x3: {  	_ = 	snop  }
0x4: {  	_ = 	snop  }
0x5: {  	_ = 	snop  }
0x6: {  	_ = 	snop  }
0x7: {  	_ = 	snop  }
__scs_overlays_trampoline_lowered:
0x8: {  	[smem:$0x3FA5] =	sst s0  }
0x9: {  	[smem:$0x3FA6] =	sst s1  }
0xa: {  	[smem:$0x3FA7] =	sst s2  }
0xb: {  	[smem:$0x3FA8] =	sst s3  }
0xc: {  	[smem:$0x3FA9] =	sst s4  }
0xd: {  	[smem:$0x3FAA] =	sst s5  }
0xe: {  	[smem:$0x3FAB] =	sst s6  }
0xf: {  	[smem:$0x3FAC] =	sst s7  }
0x10: {  	[smem:$0x3FAD] =	sst s8  }
0x11: {  	[smem:$0x3FAE] =	sst s9;
	s0 =	simm.s32 @!p0 $0x0  }
0x12: {  	s1 =	sld [smem:$0x3F94];
	s0 =	simm.s32 @p0 $0x1  }
0x13: {  	[smem:$0x3FAF] =	sst s0;
	s0 =	simm.s32 @!p1 $0x0  }
0x14: {  	s2 =	sld [smem:$0x3F93];
	s0 =	simm.s32 @p1 $0x1  }
0x15: {  	[smem:$0x3FB0] =	sst s0;
	s0 =	simm.s32 @!p2 $0x0  }
0x16: {  	s3 =	sld [smem:$0x3FDB];
	s0 =	simm.s32 @p2 $0x1  }
0x17: {  	s4 =	simm.s32 $0x1BF5;
	[smem:$0x3FB2] =	sst s0  }
0x18: {  	s0 =	sld [smem:$0x3F95];
	_ =	swait.ge [sflag:s4], $0x0  }
0x19: {  	s7 =	sld [smem:$0x3F96]  }
0x1a: {  	s8 =	sadd.s32 $0xFFFFE003, lr  }
0x1b: {  	s9 =	sadd.s32 $0xFFFFFEF7, lr;
	s5 =	simm.s32 $0xFFFFFFFF;
	p2 =	slt.u32 s8, $0xFFFFF086  }
0x1c: {  	p1 =	slt.u32 s9, $0xF7A;
	s5 =	simm.s32 @!p2 $0x0  }
0x1d: {  	s5 =	simm.s32 @p1 $0x1;
	p0 =	seq.s32 s7, s2  }
0x1e: {  	s7 =	smul.u32 @!p0 $0xF7A, s2;
	p2 =	seq.s32 @!p0 s5, $0x0  }
0x1f: {  	s9 =	smul.u32 $0xF7A, s1;
	s8 =	simm.s32 @!p0 $0x1BF5;
	p2 =	por !p2, p0  }
0x20: {  	[sflag:s8] =	ssyncset.s32 @!p0 $0xFFFFF086;
	s6 =	sadd.s32 @!p0 s3, s7;
	s7 =	simm.s32 @!p0 $0x108  }
0x21: {  	s3 =	sadd.s32 s3, s9;
	s6 =	sadd.s32 @!p0 $0x88, s6;
	s7 =	simm.s32 @p2 $0x1082  }
0x22: {  	[simem:s7], [sflag:s8] =	dma.local @!p0 [hbm:s6], $0xF7A  }
0x23: {  	s9 =	sor.u32 $0xD0000000, s2;
	s6 =	simm.s32 $0x108;
	_ =	swait.ge @!p0 [sflag:s8], $0x0  }
0x24: {  	s3 =	sadd.s32 $0x88, s3;
	s6 =	simm.s32 @!p1 $0x1082;
	[sflag:s4] =	ssyncset.s32 $0xFFFFF086  }
0x25: {  	[simem:s6], [sflag:s4] =	dma.local [hbm:s3], $0xF7A  }
0x26: {  	[smem:$0x3F96] =	sst s1;
	(tag) =	ssettag s2;
	_ =	strace s9  }
0x27: {  	s1 =	sld [smem:$0x3FA6]  }
0x28: {  	s2 =	sld [smem:$0x3FA7]  }
0x29: {  	s4 =	sld [smem:$0x3FA9]  }
0x2a: {  	p0 =	seq.s32 s5, $0x0;
	s5 =	sld [smem:$0x3FAA]  }
0x2b: {  	s6 =	sld [smem:$0x3FAB]  }
0x2c: {  	s7 =	sld [smem:$0x3FAC]  }
0x2d: {  	s3 =	simm.s32 $0x108;
	s8 =	sld [smem:$0x3FAD]  }
0x2e: {  	s3 =	simm.s32 @!p0 $0x1082;
	s9 =	sld [smem:$0x3FAE]  }
0x2f: {  	lr =	sadd.s32 s0, s3;
	s0 =	sld [smem:$0x3FA5]  }
0x30: {  	s3 =	sld [smem:$0x3FA8]  }
0x31: {  	[smem:$0x3FB1] =	sst s10  }
0x32: {  	s10 =	sld [smem:$0x3FAF];
	_ =	sdelay $0x3  }
0x33: {  	p0 =	seq.s32 s10, $0x1;
	s10 =	sld [smem:$0x3FB1];
	_ =	sdelay $0x3  }
0x34: {  	[smem:$0x3FB1] =	sst s10  }
0x35: {  	s10 =	sld [smem:$0x3FB0];
	_ =	sdelay $0x3  }
0x36: {  	p1 =	seq.s32 s10, $0x1;
	s10 =	sld [smem:$0x3FB1];
	_ =	sdelay $0x3  }
0x37: {  	[smem:$0x3FB1] =	sst s10  }
0x38: {  	s10 =	sld [smem:$0x3FB2]  }
0x39: {  	_ = 	snop;
	(pc) =	sbr.ind lr, $3  }
0x3a: {  	_ = 	snop  }
0x3b: {  	_ = 	snop  }
0x3c: {  	p2 =	seq.s32 s10, $0x1;
	s10 =	sld [smem:$0x3FB1]  }
0x3d: {  	_ =	shalt  }
0x3e: {  	_ =	shalt  }
0x3f: {  	_ =	shalt  }
0x40: {  	_ =	shalt  }
0x41: {  	_ =	shalt  }
0x42: {  	_ =	shalt  }
0x43: {  	_ =	shalt  }
0x44: {  	_ =	shalt  }
0x45: {  	_ =	shalt  }
0x46: {  	_ =	shalt  }
0x47: {  	_ =	shalt  }
0x48: {  	_ =	shalt  }
0x49: {  	_ =	shalt  }
0x4a: {  	_ =	shalt  }
0x4b: {  	_ =	shalt  }
0x4c: {  	_ =	shalt  }
0x4d: {  	_ =	shalt  }
0x4e: {  	_ =	shalt  }
0x4f: {  	_ =	shalt  }
0x50: {  	_ =	shalt  }
0x51: {  	_ =	shalt  }
0x52: {  	_ =	shalt  }
0x53: {  	_ =	shalt  }
0x54: {  	_ =	shalt  }
0x55: {  	_ =	shalt  }
0x56: {  	_ =	shalt  }
0x57: {  	_ =	shalt  }
0x58: {  	_ =	shalt  }
0x59: {  	_ =	shalt  }
0x5a: {  	_ =	shalt  }
0x5b: {  	_ =	shalt  }
0x5c: {  	_ =	shalt  }
0x5d: {  	_ =	shalt  }
0x5e: {  	_ =	shalt  }
0x5f: {  	_ =	shalt  }
0x60: {  	_ =	shalt  }
0x61: {  	_ =	shalt  }
0x62: {  	_ =	shalt  }
0x63: {  	_ =	shalt  }
0x64: {  	_ =	shalt  }
0x65: {  	_ =	shalt  }
0x66: {  	_ =	shalt  }
0x67: {  	_ =	shalt  }
0x68: {  	_ =	shalt  }
0x69: {  	_ =	shalt  }
0x6a: {  	_ =	shalt  }
0x6b: {  	_ =	shalt  }
0x6c: {  	_ =	shalt  }
0x6d: {  	_ =	shalt  }
0x6e: {  	_ =	shalt  }
0x6f: {  	_ =	shalt  }
0x70: {  	_ =	shalt  }
0x71: {  	_ =	shalt  }
0x72: {  	_ =	shalt  }
0x73: {  	_ =	shalt  }
0x74: {  	_ =	shalt  }
0x75: {  	_ =	shalt  }
0x76: {  	_ =	shalt  }
0x77: {  	_ =	shalt  }
0x78: {  	_ =	shalt  }
0x79: {  	_ =	shalt  }
0x7a: {  	_ =	shalt  }
0x7b: {  	_ =	shalt  }
0x7c: {  	_ =	shalt  }
0x7d: {  	_ =	shalt  }
0x7e: {  	_ =	shalt  }
0x7f: {  	_ =	shalt  }
0x80: {  	_ =	shalt  }
0x81: {  	_ =	shalt  }
0x82: {  	_ =	shalt  }
0x83: {  	_ =	shalt  }
0x84: {  	_ =	shalt  }
0x85: {  	_ =	shalt  }
0x86: {  	_ =	shalt  }
0x87: {  	_ =	shalt  }
.Lfunc_end0:
.L_simem_size_0:
called_computation_lowered:
.L_overlay_start_0:
0x88: {  	s2 =	sld [smem:$0x3FD9]  }
0x89: {  	s3 =	sld [smem:$0x3FFE];
	_ =	sdelay $0x1  }
0x8a: {  	s1 =	srdreg.scid  }
0x8b: {  	s0 =	sand.u32 $0x1, s1  }
0x8c: {  	s17 =	sshll.u32 s0, $0xA;
	s2 =	sadd.s32 s3, s2  }
0x8d: {  	s2 =	sadd.s32 s2, s17  }
0x8e: {  	[smem:$0x3FBD] =	sst s2  }
0x8f: {  	_ = 	snop  }
0x90: {  	s2 =	sld [smem:$0x3FD0];
	(tm) =	ssettm $0x1  }
0x91: {  	s18 =	sld [smem:$0x3FFB];
	_ =	sdelay $0x3  }
0x92: {  	_ =	strace s18  }
0x93: {  	s3 =	sld [smem:$0x3FFC];
	_ =	sdelay $0x3  }
0x94: {  	_ =	strace s3  }
0x95: {  	s3 =	sld [smem:$0x3FFD];
	_ =	sdelay $0x3  }
0x96: {  	_ =	strace s3  }
0x97: {  	_ =	strace $0x8FFFFFFF  }
0x98: {  	s19 =	sld [smem:$0x3FDB];
	_ =	sdelay $0x1  }
0x99: {  	s4 =	simm.s32 $_scs_section_size  }
0x9a: {  	s5 =	simm.s32 $_size__tile_overlayer_lowered;
	s6 =	simm.s32 $_tile_overlayer_lowered  }
0x9b: {  	s22 =	simm.s32 $0x1BFF;
	s21 =	sshll.u32 s6, $0x1;
	s3 =	sadd.s32 s4, s19  }
0x9c: {  	s7 =	simm.s32 $0x0;
	s20 =	sshll.u32 s5, $0x1;
	s5 =	sadd.s32 s21, s3  }
0x9d: {  	[timem:s7], [sflag:s22] =	dma.local [hbm:s5], s20  }
0x9e: {  	_ =	swait.ge [sflag:s22], s20  }
0x9f: {  	s4 =	ssub.s32 $0x0, s20;
	[sflag:s22] =	ssyncset.done $0x0  }
0xa0: {  	[sflag:s22] =	ssyncadd.s32 s4;
	_ =	sdelay $0x1  }
0xa1: {  	s23 =	simm.s32 $0x1B8B  }
0xa2: {  	_ =	swait.ge [sflag:s23], $0x1  }
0xa3: {  	[sflag:s23] =	ssyncset.done $0x0  }
0xa4: {  	s25 =	simm.s32 $0x1B8E;
	s24 =	sld [smem:$0x3FFE];
	[sflag:s23] =	ssyncadd.s32 $0xFFFFFFFF  }
0xa5: {  	s26 =	simm.s32 $execute0_lowered;
	[smem:$0x3FD2] =	sst s25  }
0xa6: {  	s5 =	sshll.u32 s26, $0x1;
	_ =	strace $0x80000046;
	[dreg:$0x1] =	wrdreg $0xFFFFFFFF  }
0xa7: {  	s28 =	simm.s32 $_size_execute0_lowered;
	s3 =	sadd.s32 s3, s5;
	[dreg:$0x0] =	wrdreg $0x0  }
0xa8: {  	s5 =	sshll.u32 s28, $0x1;
	[dreg:$0x2] =	wrdreg s3  }
0xa9: {  	[dreg:$0x3] =	wrdreg s5  }
0xaa: {  	[dreg:$0x4] =	wrdreg $0xC0  }
0xab: {  	_ =	task [dreg:s7], $0x5FFFF  }
0xac: {  	[dreg:$0x1] =	wrdreg $0xFFFFFFFF  }
0xad: {  	[dreg:$0x0] =	wrdreg $0x60  }
0xae: {  	[dreg:$0x2] =	wrdreg s24  }
0xaf: {  	[dreg:$0x3] =	wrdreg s2  }
0xb0: {  	[dreg:$0x4] =	wrdreg $0x41800  }
0xb1: {  	[dreg:$0x5] =	wrdreg $0x181800  }
0xb2: {  	[dreg:$0x6] =	wrdreg $0x9  }
0xb3: {  	_ =	task.clear_ibuf [dreg:s7], $0x7FFFF;
	_ =	strace $0x90000046  }
0xb4: {  	s29 =	simm.s32 $0x9;
	_ =	strace $0x80000048  }
0xb5: {  	_ =	swait.ge [sflag:s29], $0x1  }
0xb6: {  	[sflag:s29] =	ssyncadd.s32 $0xFFFFFFFF  }
0xb7: {  	_ =	strace $0x90000048  }
0xb8: {  	_ =	sfence  }
0xb9: {  	s30 =	sld [smem:$0x0];
	_ =	sdelay $0x2  }
0xba: {  	s31 =	sshll.u32 s1, $0xD;
	s1 =	sshrl.u32 s1, $0x2  }
0xbb: {  	s3 =	sand.u32 $0x4000, s31;
	s1 =	sadd.s32 s1, s30  }
0xbc: {  	s0 =	sor.u32 s3, s0;
	s1 =	sshll.u32 s1, $0x11  }
0xbd: {  	s0 =	sor.u32 s1, s0  }
0xbe: {  	s0 =	sadd.s32 $0x8F2B, s0  }
0xbf: {  	[sflag:s0] =	ssyncadd.remote.s32 $0x1  }
0xc0: {  	_ =	sfence.sel $0xFFFF  }
0xc1: {  	[dreg:$0x0] =	wrdreg $0xFFFFFFFF;
	(pc) =	sbr.abs _section_cstart, $3  }
0xc2: {  	[dreg:$0x1] =	wrdreg $0xFFFFFFFF  }
0xc3: {  	_ =	task.clear_ibuf [dreg:s7], $0x2FFFF;
	_ =	strace $0x9FFFFFFF  }
0xc4: {  	(tm) =	ssettm $0x7FFFFFFF  }
0xc5: {  	_ =	shalt  }
tec
execute0_lowered:
.L_overlay_start_1:
0x0: {  	(tag) =	ssettag $0x1  }
0x1: {  	s6 =	rddreg [dreg:$0x0]  }
0x2: {  	s12 =	rddreg [dreg:$0x1]  }
0x3: {  	s1 =	rddreg [dreg:$0x2]  }
0x4: {  	s0 =	srdreg.scid;
	s2 =	stileid.u32  }
0x5: {  	s3 =	rddreg [dreg:$0x3];
	s8 =	smul.u32 $0x14000, s2  }
0x6: {  	s4 =	simm.s32 $0x0;
	s21 =	simm.s32 $0x20;
	s9 =	smul.u32 $0x280, s2  }
0x7: {  	s22 =	simm.s32 $0x10;
	s23 =	simm.s32 $0x0;
	s25 =	smul.u32 $0x500, s2  }
0x8: {  	s7 =	sand.u32 $0x1, s0;
	s0 =	rddreg [dreg:$0x4];
	s26 =	smul.u32 $0x50000, s2  }
0x9: {  	[smem:$0x7FF] =	sst s4;
	s5 =	sadd.s32 $0xC800, s6;
	s20 =	smul.u32 $0x4F0, s2  }
0xa: {  	s31 =	sshll.u32 s2, $0x6;
	s13 =	smul.u32 $0x4F00, s7;
	_ =	strace $0x80000047  }
0xb: {  	s11 =	smul.u32 $0x140000, s7;
	s16 =	sshll.u32 s7, $0x7;
	s7 =	ssub.s32 $0x2, s7  }
0xc: {  	s10 =	sshrl.u32 s8, $0x3;
	s15 =	sshrl.u32 s9, $0x3;
	s29 =	sshrl.u32 s7, $0x1  }
0xd: {  	s30 =	sshrl.u32 s26, $0x2;
	s19 =	sadd.s32 s9, s3;
	s14 =	sadd.s32 s13, s6  }
0xe: {  	s10 =	sadd.s32 s10, s6;
	s8 =	sadd.s32 s8, s11;
	s15 =	sadd.s32 s15, s6  }
0xf: {  	s11 =	sor.u32 s16, s25;
	s16 =	sadd.s32 s30, s1;
	s13 =	sadd.s32 s13, s12  }
0x10: {  	s8 =	sshrl.u32 s8, $0x3;
	s28 =	sshrl.u32 s11, $0x3;
	s11 =	ssub.s32 s7, s29  }
0x11: {  	s7 =	sor.u32 $0x1C02, s31;
	s14 =	sadd.s32 s20, s14;
	s13 =	sadd.s32 s20, s13  }
0x12: {  	s20 =	simm.s32 $0x4100;
	s17 =	sadd.s32 s8, s6;
	s18 =	sadd.s32 s28, s6  }
0x13: {  	s6 =	sadd.s32 $0x34E00, s10;
	s8 =	sadd.s32 $0x34800, s15;
	s11 =	smax.u32 s11, $0x1  }
0x14: {  	s12 =	sadd.s32 $0x2A00, s14;
	s14 =	sshrl.u32 s16, $0x3;
	s15 =	simm.s32 $0x2  }
0x15: {  	s16 =	sshrl.u32 s19, $0x3;
	s19 =	simm.s32 $0x1;
	s9 =	sadd.s32 $0x5D800, s17  }
0x16: {  	v0 =	vimm.f32 $1.000000000e+00;
	s10 =	sadd.s32 $0x5CE00, s18;
	s17 =	simm.s32 $0x80;
	s18 =	simm.s32 $0x100  }
.LBB2_1:
0x17: {  	[spmem:s14], [sflag:s7] =	dma.local [hbm:s6], $0x2800  }
0x18: {  	_ =	swait.ge [sflag:s15], $0x2800  }
0x19: {  	[sflag:s15] =	ssyncset.done $0x0  }
0x1a: {  	[sflag:s15] =	ssyncadd.s32 $0xFFFFD800  }
0x1b: {  	[spmem:s16], [sflag:s7] =	dma.local [hbm:s8], $0x50  }
0x1c: {  	_ =	swait.ge [sflag:s15], $0x50  }
0x1d: {  	[sflag:s15] =	ssyncset.done $0x0  }
0x1e: {  	[sflag:s15] =	ssyncadd.s32 $0xFFFFFFB0  }
0x1f: {  	[tilespmem:$0x4100] =	vst v0  }
0x20: {  	[tilespmem:$0x4110] =	vst v0  }
0x21: {  	[tilespmem:$0x4120] =	vst v0  }
0x22: {  	[tilespmem:$0x4130] =	vst v0  }
0x23: {  	[tilespmem:$0x4140] =	vst v0  }
0x24: {  	[tilespmem:$0x4150] =	vst v0  }
0x25: {  	[tilespmem:$0x4160] =	vst v0  }
0x26: {  	[tilespmem:$0x4170] =	vst v0  }
0x27: {  	s24 =	sadd.s32 $0x0, s13;
	[bflag:$0x0] =	sbarrier.arrive $0xFFFF  }
0x28: {  	[tilespmem:s4], [sflag:$0x2] =	stream.linear.gather [hbm4b:s24+s4], $0x80, $0x38;
	[tilespmem:$0x18400] =	vst v63  }
0x29: {  	_ =	swait.ge [sflag:s15], $0x80  }
0x2a: {  	[sflag:s15] =	ssyncset.done $0x0  }
0x2b: {  	s31 =	sadd.s32 $0x0, s12;
	[sflag:s15] =	ssyncadd.s32 $0xFFFFFF80  }
0x2c: {  	[tilespmem:s17], [sflag:$0x2] =	stream.linear.gather [hbm4b:s31+s4], $0x80, $0x38;
	[tilespmem:$0x18400] =	vst v63  }
0x2d: {  	_ =	swait.ge [sflag:s15], $0x80  }
0x2e: {  	[sflag:s15] =	ssyncset.done $0x0  }
0x2f: {  	[sflag:s15] =	ssyncadd.s32 $0xFFFFFF80  }
0x30: {  	[tilespmem:s18], [sflag:$0x1] =	stream.indirect.gather [hbm4b:s5+s17], $0x80, s4, s17, $0xb8;
	[tilespmem:$0x18400] =	vst v63  }
0x31: {  	_ =	swait.ge [sflag:s19], $0x4000  }
0x32: {  	[sflag:s19] =	ssyncset.done $0x0  }
0x33: {  	[sflag:s19] =	ssyncadd.s32 $0xFFFFC000  }
0x34: {  	[spmem:s1] =	stream.indirect.scatter.add.f32 [tilespmem:s18], [sflag:$0x2], $0x80, s17, s17, $0xb8;
	[tilespmem:$0x18400] =	vst v63  }
0x35: {  	_ =	swait.ge [sflag:s15], $0x4000  }
0x36: {  	[sflag:s15] =	ssyncset.done $0x0  }
0x37: {  	[sflag:s15] =	ssyncadd.s32 $0xFFFFC000  }
0x38: {  	[spmem:s3] =	stream.indirect.scatter.add.f32 [tilespmem:s20], [sflag:$0x2], $0x1, s17, s17, $0xb8;
	[tilespmem:$0x18400] =	vst v63  }
0x39: {  	_ =	swait.ge [sflag:s15], $0x80  }
0x3a: {  	s25 =	simm.s32 $0x20;
	s24 =	simm.s32 $0x10;
	[sflag:s15] =	ssyncset.done $0x0  }
.LBB2_2:
0x3b: {  	s26 =	sadd.s32 s24, s13  }
0x3c: {  	[sflag:s15] =	ssyncadd.s32 $0xFFFFFF80;
	s28 =	smov.u32 s25;
	s29 =	sadd.s32 $0x10, s25  }
0x3d: {  	[tilespmem:s4], [sflag:$0x2] =	stream.linear.gather [hbm4b:s26+s4], $0x80, $0x38;
	[tilespmem:$0x18400] =	vst v63  }
0x3e: {  	p0 =	sne.s32 s25, $0x4E0;
	_ =	swait.ge [sflag:s15], $0x80  }
0x3f: {  	[sflag:s15] =	ssyncset.done $0x0  }
0x40: {  	s25 =	sadd.s32 s24, s12;
	s24 =	smov.u32 s28;
	[sflag:s15] =	ssyncadd.s32 $0xFFFFFF80  }
0x41: {  	[tilespmem:s17], [sflag:$0x2] =	stream.linear.gather [hbm4b:s25+s4], $0x80, $0x38;
	[tilespmem:$0x18400] =	vst v63  }
0x42: {  	_ =	swait.ge [sflag:s15], $0x80  }
0x43: {  	[sflag:s15] =	ssyncset.done $0x0  }
0x44: {  	[sflag:s15] =	ssyncadd.s32 $0xFFFFFF80  }
0x45: {  	[tilespmem:s18], [sflag:$0x1] =	stream.indirect.gather [hbm4b:s5+s17], $0x80, s4, s17, $0xb8;
	[tilespmem:$0x18400] =	vst v63  }
0x46: {  	_ =	swait.ge [sflag:s19], $0x4000  }
0x47: {  	[sflag:s19] =	ssyncset.done $0x0  }
0x48: {  	[sflag:s19] =	ssyncadd.s32 $0xFFFFC000  }
0x49: {  	[spmem:s1] =	stream.indirect.scatter.add.f32 [tilespmem:s18], [sflag:$0x2], $0x80, s17, s17, $0xb8;
	[tilespmem:$0x18400] =	vst v63  }
0x4a: {  	_ =	swait.ge [sflag:s15], $0x4000  }
.Ltmp0:
0x4b: {  	[sflag:s15] =	ssyncset.done $0x0;
	(pc) =	sbr.rel @p0 .LBB2_2-.Ltmp0, $4  }
0x4c: {  	[sflag:s15] =	ssyncadd.s32 $0xFFFFC000  }
0x4d: {  	[spmem:s3] =	stream.indirect.scatter.add.f32 [tilespmem:s20], [sflag:$0x2], $0x1, s17, s17, $0xb8;
	[tilespmem:$0x18400] =	vst v63  }
0x4e: {  	_ =	swait.ge [sflag:s15], $0x80  }
0x4f: {  	s25 =	smov.u32 s29;
	[sflag:s15] =	ssyncset.done $0x0  }
0x50: {  	s25 =	sadd.s32 s24, s13;
	[sflag:s15] =	ssyncadd.s32 $0xFFFFFF80  }
0x51: {  	[tilespmem:s4], [sflag:$0x2] =	stream.linear.gather [hbm4b:s25+s4], $0x80, $0x38;
	[tilespmem:$0x18400] =	vst v63  }
0x52: {  	_ =	swait.ge [sflag:s15], $0x80  }
0x53: {  	[sflag:s15] =	ssyncset.done $0x0  }
0x54: {  	s31 =	sadd.s32 s24, s12;
	[sflag:s15] =	ssyncadd.s32 $0xFFFFFF80  }
0x55: {  	[tilespmem:s17], [sflag:$0x2] =	stream.linear.gather [hbm4b:s31+s4], $0x80, $0x38;
	[tilespmem:$0x18400] =	vst v63  }
0x56: {  	_ =	swait.ge [sflag:s15], $0x80  }
0x57: {  	[sflag:s15] =	ssyncset.done $0x0  }
0x58: {  	[sflag:s15] =	ssyncadd.s32 $0xFFFFFF80  }
0x59: {  	[tilespmem:s18], [sflag:$0x1] =	stream.indirect.gather [hbm4b:s5+s17], $0x80, s4, s17, $0xb8;
	[tilespmem:$0x18400] =	vst v63  }
0x5a: {  	_ =	swait.ge [sflag:s19], $0x4000  }
0x5b: {  	[sflag:s19] =	ssyncset.done $0x0  }
0x5c: {  	[sflag:s19] =	ssyncadd.s32 $0xFFFFC000  }
0x5d: {  	[spmem:s1] =	stream.indirect.scatter.add.f32 [tilespmem:s18], [sflag:$0x2], $0x80, s17, s17, $0xb8;
	[tilespmem:$0x18400] =	vst v63  }
0x5e: {  	_ =	swait.ge [sflag:s15], $0x4000  }
0x5f: {  	[sflag:s15] =	ssyncset.done $0x0  }
0x60: {  	[sflag:s15] =	ssyncadd.s32 $0xFFFFC000  }
0x61: {  	[spmem:s3] =	stream.indirect.scatter.add.f32 [tilespmem:s20], [sflag:$0x2], $0x1, s17, s17, $0xb8;
	[tilespmem:$0x18400] =	vst v63  }
0x62: {  	_ =	swait.ge [sflag:s15], $0x80  }
0x63: {  	[sflag:s15] =	ssyncset.done $0x0  }
0x64: {  	[sflag:s15] =	ssyncadd.s32 $0xFFFFFF80  }
0x65: {  	[bflag:$0x0] =	sbarrier.arrive $0xFFFF  }
0x66: {  	[hbm:s9], [sflag:s7] =	dma.local [spmem:s14], $0x2800  }
0x67: {  	s23 =	sadd.s32 $0x1, s23;
	_ =	swait.ge [sflag:s15], $0x2800  }
0x68: {  	p0 =	sne.s32 s23, s11;
	[sflag:s15] =	ssyncset.done $0x0  }
.Ltmp1:
0x69: {  	[sflag:s15] =	ssyncadd.s32 $0xFFFFD800;
	(pc) =	sbr.rel @p0 .LBB2_1-.Ltmp1, $4  }
0x6a: {  	[hbm:s10@s21], [sflag:s7] =	dma.strided [spmem:s16@s22], $0x50, s19, $0x10   }
0x6b: {  	_ =	swait.ge [sflag:s15], $0x50  }
0x6c: {  	[sflag:s15] =	ssyncset.done $0x0  }
0x6d: {  	[sflag:s15] =	ssyncadd.s32 $0xFFFFFFB0  }
0x6e: {  	_ =	sfence.sel $0x180000  }
0x6f: {  	[bflag:$0x0] =	sbarrier.arrive $0xFFFF  }
0x70: {  	p0 =	sne.s32 s2, $0x0;
	_ =	strace $0x90000047  }
0x71: {  	s0 =	sadd.s32 @!p0 $0x100000, s0;
	[bflag:$0x2] =	sbarrier.arrive $0xFFFF  }
0x72: {  	[sflag:s0] =	ssyncadd.tile.s32 @!p0 $0x1;
	_ =	shalt  }
.Lfunc_end2:
_tile_overlayer_lowered:
.L_overlay_start_2:
0x73: {  	(tag) =	ssettag $0x2  }
0x74: {  	s0 =	rddreg [dreg:$0x0];
	s2 =	stileid.u32  }
0x75: {  	s1 =	rddreg [dreg:$0x1];
	p0 =	sne.s32 s2, $0x0  }
0x76: {  	s3 =	rddreg [dreg:$0x2];
	[bflag:$0x3] =	sbarrier.arrive $0xFFFF;
	s2 =	simm.s32 @!p0 $0x1C02  }
0x77: {  	[timem:s3], [sflag:s2] =	dma.local @!p0 [hbm:s0], s1  }
0x78: {  	s0 =	simm.s32 @!p0 $0x2  }
0x79: {  	_ =	swait.ge @!p0 [sflag:s0], s1  }
0x7a: {  	s1 =	ssub.s32 @!p0 $0x0, s1;
	[sflag:s0] =	ssyncset.done @!p0 $0x0  }
0x7b: {  	[sflag:s0] =	ssyncadd.s32 @!p0 s1  }
0x7c: {  	[bflag:$0x3] =	sbarrier.arrive $0xFFFF  }
0x7d: {  	_ =	shalt  }

</sc_bundles>
